<compile_context>
chip_gen: v7x
topology: tpu7x:2x2x1
jax: 0.10.2.dev20260603
libtpu: 0.0.44.dev20260713+nightly
codegen_flags: <defaults>
</compile_context>

<pallas_src>
import jax
import jax.numpy as jnp
from jax import lax
from jax.experimental import pallas as pl
from jax.experimental.pallas import tpu as pltpu
from jax.experimental.pallas import tpu_sc as plsc

NC = 2
NS = 16
NW = NC * NS
L = 16
B = 16384
BPW = B // NW
NQ = 4
Q = BPW // NQ


def _embed_body(src_hbm, lnk_hbm, nodes_hbm, x_hbm, y_hbm, out_hbm,
                src_i, lnk_i, vals, dx, dy, out_v, sem_s, sem_l, sem_o, *sem_q):
    wid = lax.axis_index("s") * NC + lax.axis_index("c")
    base = wid * BPW
    c_src = pltpu.async_copy(src_hbm.at[pl.ds(base, BPW)], src_i, sem_s)
    c_lnk = pltpu.async_copy(lnk_hbm.at[pl.ds(base, BPW)], lnk_i, sem_l)

    c_src.wait()
    c_lnk.wait()
    g = []
    for q in range(NQ):
        sl = pl.ds(q * Q, Q)
        g.append((pltpu.async_copy(nodes_hbm.at[src_i.at[sl]],
                                   vals.at[sl], sem_q[q]),
                  pltpu.async_copy(x_hbm.at[lnk_i.at[sl]],
                                   dx.at[sl], sem_q[q]),
                  pltpu.async_copy(y_hbm.at[lnk_i.at[sl]],
                                   dy.at[sl], sem_q[q])))

    outs = []
    for q in range(NQ):
        for c in g[q]:
            c.wait()
        for i in range(q * Q // L, (q + 1) * Q // L):
            s = pl.ds(i * L, L)
            out_v[s] = dx[s] + dy[s] * vals[s]
        outs.append(pltpu.async_copy(out_v.at[pl.ds(q * Q, Q)],
                                     out_hbm.at[pl.ds(base + q * Q, Q)], sem_o))
    for o in outs:
        o.wait()


def kernel(src, lnk, nodes, x, y):
    mesh = plsc.VectorSubcoreMesh(
        core_axis_name="c", subcore_axis_name="s",
        num_cores=NC, num_subcores=NS)
    f = pl.kernel(
        _embed_body,
        out_type=jax.ShapeDtypeStruct((B,), jnp.float32),
        mesh=mesh,
        scratch_types=[
            pltpu.VMEM((BPW,), jnp.int32),
            pltpu.VMEM((BPW,), jnp.int32),
            pltpu.VMEM((BPW,), jnp.float32),
            pltpu.VMEM((BPW,), jnp.float32),
            pltpu.VMEM((BPW,), jnp.float32),
            pltpu.VMEM((BPW,), jnp.float32),
            pltpu.SemaphoreType.DMA,
            pltpu.SemaphoreType.DMA,
            pltpu.SemaphoreType.DMA,
        ] + [pltpu.SemaphoreType.DMA] * NQ,
    )
    return f(src.astype(jnp.int32), lnk.astype(jnp.int32), nodes, x, y)

# --- scband reference (transcript-rebuilt; emitter-appended) ---
"""Pipeline reference for scband-embeding-21139829031011 (READ-ONLY COPY).

The authoritative reference and input builder live on the scoring server;
editing this copy changes nothing except your own understanding.
"""

import jax, jax.numpy as jnp
import numpy as np

NODE_NUM = 1000000
LINK_NUM = 1000000
BATCH = 16384


def setup_inputs(seed: int = 0) -> dict:
    key = jax.random.key(seed)
    k1, k2, k3, k4, k5 = jax.random.split(key, 5)
    src = jax.random.randint(k1, (BATCH,), 0, NODE_NUM, dtype=jnp.int64) if jax.config.jax_enable_x64 else jax.random.randint(k1, (BATCH,), 0, NODE_NUM).astype(jnp.int32)
    lnk = jax.random.randint(k2, (BATCH,), 0, LINK_NUM).astype(src.dtype)
    # learned parameters per __init__: nodes ~ U[0,1), x,y ~ U[-1,1)
    nodes = jax.random.uniform(k3, (NODE_NUM,), dtype=jnp.float32)
    x = 2.0 * jax.random.uniform(k4, (LINK_NUM,), dtype=jnp.float32) - 1.0
    y = 2.0 * jax.random.uniform(k5, (LINK_NUM,), dtype=jnp.float32) - 1.0
    return {"src": src, "lnk": lnk, "nodes": nodes, "x": x, "y": y}


def reference(src, lnk, nodes, x, y):
    # Faithful translation of Embeding.forward
    dx = jnp.take(x, lnk, axis=0)
    dy = jnp.take(y, lnk, axis=0)
    val = jnp.take(nodes, src, axis=0)
    return dx + dy * val

if __name__ == "__main__":
    import jax
    _d = setup_inputs()
    print(jax.jit(kernel)(*tuple(_d.values())))

</pallas_src>

<mosaic_0001>
#map = affine_map<(d0, d1) -> (0)>
module attributes {stable_mosaic.version = 14 : i64} {
  func.func @_embed_body(%arg0: i32, %arg1: i32, %arg2: memref<16384xi32, #tpu.memory_space<hbm>>, %arg3: memref<16384xi32, #tpu.memory_space<hbm>>, %arg4: memref<1000000xf32, #tpu.memory_space<hbm>>, %arg5: memref<1000000xf32, #tpu.memory_space<hbm>>, %arg6: memref<1000000xf32, #tpu.memory_space<hbm>>, %arg7: memref<16384xf32, #tpu.memory_space<hbm>>, %arg8: memref<512xi32, #tpu.memory_space<vmem>>, %arg9: memref<512xi32, #tpu.memory_space<vmem>>, %arg10: memref<512xf32, #tpu.memory_space<vmem>>, %arg11: memref<512xf32, #tpu.memory_space<vmem>>, %arg12: memref<512xf32, #tpu.memory_space<vmem>>, %arg13: memref<512xf32, #tpu.memory_space<vmem>>, %arg14: memref<!tpu.dma_semaphore, #tpu.memory_space<semaphore_mem>>, %arg15: memref<!tpu.dma_semaphore, #tpu.memory_space<semaphore_mem>>, %arg16: memref<!tpu.dma_semaphore, #tpu.memory_space<semaphore_mem>>, %arg17: memref<!tpu.dma_semaphore, #tpu.memory_space<semaphore_mem>>, %arg18: memref<!tpu.dma_semaphore, #tpu.memory_space<semaphore_mem>>, %arg19: memref<!tpu.dma_semaphore, #tpu.memory_space<semaphore_mem>>, %arg20: memref<!tpu.dma_semaphore, #tpu.memory_space<semaphore_mem>>) attributes {dimension_semantics = [#tpu.dimension_semantics<core_parallel>, #tpu.dimension_semantics<subcore_parallel>], iteration_bounds = array<i64: 2, 16>, scalar_prefetch = 0 : i64, scratch_operands = 13 : i64, tpu.core_type = #tpu.core_type<sc_vector_subcore>, window_params = [{transform_indices = #map}, {transform_indices = #map}, {transform_indices = #map}, {transform_indices = #map}, {transform_indices = #map}, {transform_indices = #map}]} {
    %mul3A = arith.constant 2 : i32
    %mul3A_0 = arith.muli %arg1, %mul3A : i32
    %add3A = arith.addi %mul3A_0, %arg0 : i32
    %mul3A_1 = arith.constant 512 : i32
    %mul3A_2 = arith.muli %add3A, %mul3A_1 : i32
    %dma_start3A = tpu.memref_slice %arg2[%mul3A_2] : memref<16384xi32, #tpu.memory_space<hbm>> -> memref<512xi32, #tpu.memory_space<hbm>>
    %dma_start3A_3 = tpu.memref_slice %arg2[%mul3A_2] : memref<16384xi32, #tpu.memory_space<hbm>> -> memref<512xi32, #tpu.memory_space<hbm>>
    tpu.enqueue_dma source(%dma_start3A_3 : memref<512xi32, #tpu.memory_space<hbm>>) target(%arg8 : memref<512xi32, #tpu.memory_space<vmem>>) target_semaphore(%arg14 : memref<!tpu.dma_semaphore, #tpu.memory_space<semaphore_mem>>)
    %dma_start3A_4 = tpu.memref_slice %arg3[%mul3A_2] : memref<16384xi32, #tpu.memory_space<hbm>> -> memref<512xi32, #tpu.memory_space<hbm>>
    %dma_start3A_5 = tpu.memref_slice %arg3[%mul3A_2] : memref<16384xi32, #tpu.memory_space<hbm>> -> memref<512xi32, #tpu.memory_space<hbm>>
    tpu.enqueue_dma source(%dma_start3A_5 : memref<512xi32, #tpu.memory_space<hbm>>) target(%arg9 : memref<512xi32, #tpu.memory_space<vmem>>) target_semaphore(%arg15 : memref<!tpu.dma_semaphore, #tpu.memory_space<semaphore_mem>>)
    %dma_wait3A = tpu.memref_slice %arg2[%mul3A_2] : memref<16384xi32, #tpu.memory_space<hbm>> -> memref<512xi32, #tpu.memory_space<hbm>>
    %dma_wait3A_6 = tpu.memref_slice %arg2[%mul3A_2] : memref<16384xi32, #tpu.memory_space<hbm>> -> memref<512xi32, #tpu.memory_space<hbm>>
    tpu.wait_dma2 semaphore(%arg14 : memref<!tpu.dma_semaphore, #tpu.memory_space<semaphore_mem>>) src(%dma_wait3A_6 : memref<512xi32, #tpu.memory_space<hbm>>) dst(%arg8 : memref<512xi32, #tpu.memory_space<vmem>>)
    %dma_wait3A_7 = tpu.memref_slice %arg3[%mul3A_2] : memref<16384xi32, #tpu.memory_space<hbm>> -> memref<512xi32, #tpu.memory_space<hbm>>
    %dma_wait3A_8 = tpu.memref_slice %arg3[%mul3A_2] : memref<16384xi32, #tpu.memory_space<hbm>> -> memref<512xi32, #tpu.memory_space<hbm>>
    tpu.wait_dma2 semaphore(%arg15 : memref<!tpu.dma_semaphore, #tpu.memory_space<semaphore_mem>>) src(%dma_wait3A_8 : memref<512xi32, #tpu.memory_space<hbm>>) dst(%arg9 : memref<512xi32, #tpu.memory_space<vmem>>)
    %dma_start3A_9 = arith.constant 0 : i32
    %dma_start3A_10 = tpu.memref_slice %arg10[%dma_start3A_9] : memref<512xf32, #tpu.memory_space<vmem>> -> memref<128xf32, #tpu.memory_space<vmem>>
    %dma_start3A_11 = arith.constant 0 : i32
    %dma_start3A_12 = tpu.memref_slice %arg8[%dma_start3A_11] : memref<512xi32, #tpu.memory_space<vmem>> -> memref<128xi32, #tpu.memory_space<vmem>>
    %dma_start3A_13 = arith.constant 0 : i32
    %dma_start3A_14 = tpu.memref_slice %arg4[%dma_start3A_13] : memref<1000000xf32, #tpu.memory_space<hbm>> -> memref<1000000xf32, #tpu.memory_space<hbm>>
    tpu.enqueue_indirect_dma source(%dma_start3A_14 : memref<1000000xf32, #tpu.memory_space<hbm>>) target(%dma_start3A_10 : memref<128xf32, #tpu.memory_space<vmem>>) offsets(%dma_start3A_12 : memref<128xi32, #tpu.memory_space<vmem>>) semaphore(%arg17 : memref<!tpu.dma_semaphore, #tpu.memory_space<semaphore_mem>>)
    %dma_start3A_15 = arith.constant 0 : i32
    %dma_start3A_16 = tpu.memref_slice %arg11[%dma_start3A_15] : memref<512xf32, #tpu.memory_space<vmem>> -> memref<128xf32, #tpu.memory_space<vmem>>
    %dma_start3A_17 = arith.constant 0 : i32
    %dma_start3A_18 = tpu.memref_slice %arg9[%dma_start3A_17] : memref<512xi32, #tpu.memory_space<vmem>> -> memref<128xi32, #tpu.memory_space<vmem>>
    %dma_start3A_19 = arith.constant 0 : i32
    %dma_start3A_20 = tpu.memref_slice %arg5[%dma_start3A_19] : memref<1000000xf32, #tpu.memory_space<hbm>> -> memref<1000000xf32, #tpu.memory_space<hbm>>
    tpu.enqueue_indirect_dma source(%dma_start3A_20 : memref<1000000xf32, #tpu.memory_space<hbm>>) target(%dma_start3A_16 : memref<128xf32, #tpu.memory_space<vmem>>) offsets(%dma_start3A_18 : memref<128xi32, #tpu.memory_space<vmem>>) semaphore(%arg17 : memref<!tpu.dma_semaphore, #tpu.memory_space<semaphore_mem>>)
    %dma_start3A_21 = arith.constant 0 : i32
    %dma_start3A_22 = tpu.memref_slice %arg12[%dma_start3A_21] : memref<512xf32, #tpu.memory_space<vmem>> -> memref<128xf32, #tpu.memory_space<vmem>>
    %dma_start3A_23 = arith.constant 0 : i32
    %dma_start3A_24 = tpu.memref_slice %arg9[%dma_start3A_23] : memref<512xi32, #tpu.memory_space<vmem>> -> memref<128xi32, #tpu.memory_space<vmem>>
    %dma_start3A_25 = arith.constant 0 : i32
    %dma_start3A_26 = tpu.memref_slice %arg6[%dma_start3A_25] : memref<1000000xf32, #tpu.memory_space<hbm>> -> memref<1000000xf32, #tpu.memory_space<hbm>>
    tpu.enqueue_indirect_dma source(%dma_start3A_26 : memref<1000000xf32, #tpu.memory_space<hbm>>) target(%dma_start3A_22 : memref<128xf32, #tpu.memory_space<vmem>>) offsets(%dma_start3A_24 : memref<128xi32, #tpu.memory_space<vmem>>) semaphore(%arg17 : memref<!tpu.dma_semaphore, #tpu.memory_space<semaphore_mem>>)
    %dma_start3A_27 = arith.constant 128 : i32
    %dma_start3A_28 = tpu.memref_slice %arg10[%dma_start3A_27] : memref<512xf32, #tpu.memory_space<vmem>> -> memref<128xf32, #tpu.memory_space<vmem>>
    %dma_start3A_29 = arith.constant 128 : i32
    %dma_start3A_30 = tpu.memref_slice %arg8[%dma_start3A_29] : memref<512xi32, #tpu.memory_space<vmem>> -> memref<128xi32, #tpu.memory_space<vmem>>
    %dma_start3A_31 = arith.constant 0 : i32
    %dma_start3A_32 = tpu.memref_slice %arg4[%dma_start3A_31] : memref<1000000xf32, #tpu.memory_space<hbm>> -> memref<1000000xf32, #tpu.memory_space<hbm>>
    tpu.enqueue_indirect_dma source(%dma_start3A_32 : memref<1000000xf32, #tpu.memory_space<hbm>>) target(%dma_start3A_28 : memref<128xf32, #tpu.memory_space<vmem>>) offsets(%dma_start3A_30 : memref<128xi32, #tpu.memory_space<vmem>>) semaphore(%arg18 : memref<!tpu.dma_semaphore, #tpu.memory_space<semaphore_mem>>)
    %dma_start3A_33 = arith.constant 128 : i32
    %dma_start3A_34 = tpu.memref_slice %arg11[%dma_start3A_33] : memref<512xf32, #tpu.memory_space<vmem>> -> memref<128xf32, #tpu.memory_space<vmem>>
    %dma_start3A_35 = arith.constant 128 : i32
    %dma_start3A_36 = tpu.memref_slice %arg9[%dma_start3A_35] : memref<512xi32, #tpu.memory_space<vmem>> -> memref<128xi32, #tpu.memory_space<vmem>>
    %dma_start3A_37 = arith.constant 0 : i32
    %dma_start3A_38 = tpu.memref_slice %arg5[%dma_start3A_37] : memref<1000000xf32, #tpu.memory_space<hbm>> -> memref<1000000xf32, #tpu.memory_space<hbm>>
    tpu.enqueue_indirect_dma source(%dma_start3A_38 : memref<1000000xf32, #tpu.memory_space<hbm>>) target(%dma_start3A_34 : memref<128xf32, #tpu.memory_space<vmem>>) offsets(%dma_start3A_36 : memref<128xi32, #tpu.memory_space<vmem>>) semaphore(%arg18 : memref<!tpu.dma_semaphore, #tpu.memory_space<semaphore_mem>>)
    %dma_start3A_39 = arith.constant 128 : i32
    %dma_start3A_40 = tpu.memref_slice %arg12[%dma_start3A_39] : memref<512xf32, #tpu.memory_space<vmem>> -> memref<128xf32, #tpu.memory_space<vmem>>
    %dma_start3A_41 = arith.constant 128 : i32
    %dma_start3A_42 = tpu.memref_slice %arg9[%dma_start3A_41] : memref<512xi32, #tpu.memory_space<vmem>> -> memref<128xi32, #tpu.memory_space<vmem>>
    %dma_start3A_43 = arith.constant 0 : i32
    %dma_start3A_44 = tpu.memref_slice %arg6[%dma_start3A_43] : memref<1000000xf32, #tpu.memory_space<hbm>> -> memref<1000000xf32, #tpu.memory_space<hbm>>
    tpu.enqueue_indirect_dma source(%dma_start3A_44 : memref<1000000xf32, #tpu.memory_space<hbm>>) target(%dma_start3A_40 : memref<128xf32, #tpu.memory_space<vmem>>) offsets(%dma_start3A_42 : memref<128xi32, #tpu.memory_space<vmem>>) semaphore(%arg18 : memref<!tpu.dma_semaphore, #tpu.memory_space<semaphore_mem>>)
    %dma_start3A_45 = arith.constant 256 : i32
    %dma_start3A_46 = tpu.memref_slice %arg10[%dma_start3A_45] : memref<512xf32, #tpu.memory_space<vmem>> -> memref<128xf32, #tpu.memory_space<vmem>>
    %dma_start3A_47 = arith.constant 256 : i32
    %dma_start3A_48 = tpu.memref_slice %arg8[%dma_start3A_47] : memref<512xi32, #tpu.memory_space<vmem>> -> memref<128xi32, #tpu.memory_space<vmem>>
    %dma_start3A_49 = arith.constant 0 : i32
    %dma_start3A_50 = tpu.memref_slice %arg4[%dma_start3A_49] : memref<1000000xf32, #tpu.memory_space<hbm>> -> memref<1000000xf32, #tpu.memory_space<hbm>>
    tpu.enqueue_indirect_dma source(%dma_start3A_50 : memref<1000000xf32, #tpu.memory_space<hbm>>) target(%dma_start3A_46 : memref<128xf32, #tpu.memory_space<vmem>>) offsets(%dma_start3A_48 : memref<128xi32, #tpu.memory_space<vmem>>) semaphore(%arg19 : memref<!tpu.dma_semaphore, #tpu.memory_space<semaphore_mem>>)
    %dma_start3A_51 = arith.constant 256 : i32
    %dma_start3A_52 = tpu.memref_slice %arg11[%dma_start3A_51] : memref<512xf32, #tpu.memory_space<vmem>> -> memref<128xf32, #tpu.memory_space<vmem>>
    %dma_start3A_53 = arith.constant 256 : i32
    %dma_start3A_54 = tpu.memref_slice %arg9[%dma_start3A_53] : memref<512xi32, #tpu.memory_space<vmem>> -> memref<128xi32, #tpu.memory_space<vmem>>
    %dma_start3A_55 = arith.constant 0 : i32
    %dma_start3A_56 = tpu.memref_slice %arg5[%dma_start3A_55] : memref<1000000xf32, #tpu.memory_space<hbm>> -> memref<1000000xf32, #tpu.memory_space<hbm>>
    tpu.enqueue_indirect_dma source(%dma_start3A_56 : memref<1000000xf32, #tpu.memory_space<hbm>>) target(%dma_start3A_52 : memref<128xf32, #tpu.memory_space<vmem>>) offsets(%dma_start3A_54 : memref<128xi32, #tpu.memory_space<vmem>>) semaphore(%arg19 : memref<!tpu.dma_semaphore, #tpu.memory_space<semaphore_mem>>)
    %dma_start3A_57 = arith.constant 256 : i32
    %dma_start3A_58 = tpu.memref_slice %arg12[%dma_start3A_57] : memref<512xf32, #tpu.memory_space<vmem>> -> memref<128xf32, #tpu.memory_space<vmem>>
    %dma_start3A_59 = arith.constant 256 : i32
    %dma_start3A_60 = tpu.memref_slice %arg9[%dma_start3A_59] : memref<512xi32, #tpu.memory_space<vmem>> -> memref<128xi32, #tpu.memory_space<vmem>>
    %dma_start3A_61 = arith.constant 0 : i32
    %dma_start3A_62 = tpu.memref_slice %arg6[%dma_start3A_61] : memref<1000000xf32, #tpu.memory_space<hbm>> -> memref<1000000xf32, #tpu.memory_space<hbm>>
    tpu.enqueue_indirect_dma source(%dma_start3A_62 : memref<1000000xf32, #tpu.memory_space<hbm>>) target(%dma_start3A_58 : memref<128xf32, #tpu.memory_space<vmem>>) offsets(%dma_start3A_60 : memref<128xi32, #tpu.memory_space<vmem>>) semaphore(%arg19 : memref<!tpu.dma_semaphore, #tpu.memory_space<semaphore_mem>>)
    %dma_start3A_63 = arith.constant 384 : i32
    %dma_start3A_64 = tpu.memref_slice %arg10[%dma_start3A_63] : memref<512xf32, #tpu.memory_space<vmem>> -> memref<128xf32, #tpu.memory_space<vmem>>
    %dma_start3A_65 = arith.constant 384 : i32
    %dma_start3A_66 = tpu.memref_slice %arg8[%dma_start3A_65] : memref<512xi32, #tpu.memory_space<vmem>> -> memref<128xi32, #tpu.memory_space<vmem>>
    %dma_start3A_67 = arith.constant 0 : i32
    %dma_start3A_68 = tpu.memref_slice %arg4[%dma_start3A_67] : memref<1000000xf32, #tpu.memory_space<hbm>> -> memref<1000000xf32, #tpu.memory_space<hbm>>
    tpu.enqueue_indirect_dma source(%dma_start3A_68 : memref<1000000xf32, #tpu.memory_space<hbm>>) target(%dma_start3A_64 : memref<128xf32, #tpu.memory_space<vmem>>) offsets(%dma_start3A_66 : memref<128xi32, #tpu.memory_space<vmem>>) semaphore(%arg20 : memref<!tpu.dma_semaphore, #tpu.memory_space<semaphore_mem>>)
    %dma_start3A_69 = arith.constant 384 : i32
    %dma_start3A_70 = tpu.memref_slice %arg11[%dma_start3A_69] : memref<512xf32, #tpu.memory_space<vmem>> -> memref<128xf32, #tpu.memory_space<vmem>>
    %dma_start3A_71 = arith.constant 384 : i32
    %dma_start3A_72 = tpu.memref_slice %arg9[%dma_start3A_71] : memref<512xi32, #tpu.memory_space<vmem>> -> memref<128xi32, #tpu.memory_space<vmem>>
    %dma_start3A_73 = arith.constant 0 : i32
    %dma_start3A_74 = tpu.memref_slice %arg5[%dma_start3A_73] : memref<1000000xf32, #tpu.memory_space<hbm>> -> memref<1000000xf32, #tpu.memory_space<hbm>>
    tpu.enqueue_indirect_dma source(%dma_start3A_74 : memref<1000000xf32, #tpu.memory_space<hbm>>) target(%dma_start3A_70 : memref<128xf32, #tpu.memory_space<vmem>>) offsets(%dma_start3A_72 : memref<128xi32, #tpu.memory_space<vmem>>) semaphore(%arg20 : memref<!tpu.dma_semaphore, #tpu.memory_space<semaphore_mem>>)
    %dma_start3A_75 = arith.constant 384 : i32
    %dma_start3A_76 = tpu.memref_slice %arg12[%dma_start3A_75] : memref<512xf32, #tpu.memory_space<vmem>> -> memref<128xf32, #tpu.memory_space<vmem>>
    %dma_start3A_77 = arith.constant 384 : i32
    %dma_start3A_78 = tpu.memref_slice %arg9[%dma_start3A_77] : memref<512xi32, #tpu.memory_space<vmem>> -> memref<128xi32, #tpu.memory_space<vmem>>
    %dma_start3A_79 = arith.constant 0 : i32
    %dma_start3A_80 = tpu.memref_slice %arg6[%dma_start3A_79] : memref<1000000xf32, #tpu.memory_space<hbm>> -> memref<1000000xf32, #tpu.memory_space<hbm>>
    tpu.enqueue_indirect_dma source(%dma_start3A_80 : memref<1000000xf32, #tpu.memory_space<hbm>>) target(%dma_start3A_76 : memref<128xf32, #tpu.memory_space<vmem>>) offsets(%dma_start3A_78 : memref<128xi32, #tpu.memory_space<vmem>>) semaphore(%arg20 : memref<!tpu.dma_semaphore, #tpu.memory_space<semaphore_mem>>)
    %dma_wait3A_81 = arith.constant 0 : i32
    %dma_wait3A_82 = tpu.memref_slice %arg10[%dma_wait3A_81] : memref<512xf32, #tpu.memory_space<vmem>> -> memref<128xf32, #tpu.memory_space<vmem>>
    %dma_wait3A_83 = arith.constant 0 : i32
    %dma_wait3A_84 = tpu.memref_slice %arg8[%dma_wait3A_83] : memref<512xi32, #tpu.memory_space<vmem>> -> memref<128xi32, #tpu.memory_space<vmem>>
    %dma_wait3A_85 = arith.constant 0 : i32
    %dma_wait3A_86 = tpu.memref_slice %arg4[%dma_wait3A_85] : memref<1000000xf32, #tpu.memory_space<hbm>> -> memref<1000000xf32, #tpu.memory_space<hbm>>
    tpu.wait_indirect_dma semaphore(%arg17 : memref<!tpu.dma_semaphore, #tpu.memory_space<semaphore_mem>>) src(%dma_wait3A_86 : memref<1000000xf32, #tpu.memory_space<hbm>>) dst(%dma_wait3A_82 : memref<128xf32, #tpu.memory_space<vmem>>)
    %dma_wait3A_87 = arith.constant 0 : i32
    %dma_wait3A_88 = tpu.memref_slice %arg11[%dma_wait3A_87] : memref<512xf32, #tpu.memory_space<vmem>> -> memref<128xf32, #tpu.memory_space<vmem>>
    %dma_wait3A_89 = arith.constant 0 : i32
    %dma_wait3A_90 = tpu.memref_slice %arg9[%dma_wait3A_89] : memref<512xi32, #tpu.memory_space<vmem>> -> memref<128xi32, #tpu.memory_space<vmem>>
    %dma_wait3A_91 = arith.constant 0 : i32
    %dma_wait3A_92 = tpu.memref_slice %arg5[%dma_wait3A_91] : memref<1000000xf32, #tpu.memory_space<hbm>> -> memref<1000000xf32, #tpu.memory_space<hbm>>
    tpu.wait_indirect_dma semaphore(%arg17 : memref<!tpu.dma_semaphore, #tpu.memory_space<semaphore_mem>>) src(%dma_wait3A_92 : memref<1000000xf32, #tpu.memory_space<hbm>>) dst(%dma_wait3A_88 : memref<128xf32, #tpu.memory_space<vmem>>)
    %dma_wait3A_93 = arith.constant 0 : i32
    %dma_wait3A_94 = tpu.memref_slice %arg12[%dma_wait3A_93] : memref<512xf32, #tpu.memory_space<vmem>> -> memref<128xf32, #tpu.memory_space<vmem>>
    %dma_wait3A_95 = arith.constant 0 : i32
    %dma_wait3A_96 = tpu.memref_slice %arg9[%dma_wait3A_95] : memref<512xi32, #tpu.memory_space<vmem>> -> memref<128xi32, #tpu.memory_space<vmem>>
    %dma_wait3A_97 = arith.constant 0 : i32
    %dma_wait3A_98 = tpu.memref_slice %arg6[%dma_wait3A_97] : memref<1000000xf32, #tpu.memory_space<hbm>> -> memref<1000000xf32, #tpu.memory_space<hbm>>
    tpu.wait_indirect_dma semaphore(%arg17 : memref<!tpu.dma_semaphore, #tpu.memory_space<semaphore_mem>>) src(%dma_wait3A_98 : memref<1000000xf32, #tpu.memory_space<hbm>>) dst(%dma_wait3A_94 : memref<128xf32, #tpu.memory_space<vmem>>)
    %get3A = arith.constant 0 : index
    %get3A_99 = tpu.vector_load %arg11[%get3A] {strides = array<i32>} : memref<512xf32, #tpu.memory_space<vmem>>, vector<16xf32>,
    %get3A_100 = vector.shape_cast %get3A_99 : vector<16xf32> to vector<16xf32>
    %get3A_101 = arith.constant 0 : index
    %get3A_102 = tpu.vector_load %arg12[%get3A_101] {strides = array<i32>} : memref<512xf32, #tpu.memory_space<vmem>>, vector<16xf32>,
    %get3A_103 = vector.shape_cast %get3A_102 : vector<16xf32> to vector<16xf32>
    %get3A_104 = arith.constant 0 : index
    %get3A_105 = tpu.vector_load %arg10[%get3A_104] {strides = array<i32>} : memref<512xf32, #tpu.memory_space<vmem>>, vector<16xf32>,
    %get3A_106 = vector.shape_cast %get3A_105 : vector<16xf32> to vector<16xf32>
    %mul3A_107 = arith.mulf %get3A_103, %get3A_106 : vector<16xf32>
    %add3A_108 = arith.addf %get3A_100, %mul3A_107 : vector<16xf32>
    %swap3A = arith.constant 0 : index
    %swap3A_109 = tpu.vector_load %arg13[%swap3A] {strides = array<i32>} : memref<512xf32, #tpu.memory_space<vmem>>, vector<16xf32>,
    %swap3A_110 = vector.shape_cast %swap3A_109 : vector<16xf32> to vector<16xf32>
    %swap3A_111 = vector.shape_cast %add3A_108 : vector<16xf32> to vector<16xf32>
    tpu.vector_store %arg13[%swap3A], %swap3A_111 {strides = array<i32>} : memref<512xf32, #tpu.memory_space<vmem>>, vector<16xf32>,
    %get3A_112 = arith.constant 16 : index
    %get3A_113 = tpu.vector_load %arg11[%get3A_112] {strides = array<i32>} : memref<512xf32, #tpu.memory_space<vmem>>, vector<16xf32>,
    %get3A_114 = vector.shape_cast %get3A_113 : vector<16xf32> to vector<16xf32>
    %get3A_115 = arith.constant 16 : index
    %get3A_116 = tpu.vector_load %arg12[%get3A_115] {strides = array<i32>} : memref<512xf32, #tpu.memory_space<vmem>>, vector<16xf32>,
    %get3A_117 = vector.shape_cast %get3A_116 : vector<16xf32> to vector<16xf32>
    %get3A_118 = arith.constant 16 : index
    %get3A_119 = tpu.vector_load %arg10[%get3A_118] {strides = array<i32>} : memref<512xf32, #tpu.memory_space<vmem>>, vector<16xf32>,
    %get3A_120 = vector.shape_cast %get3A_119 : vector<16xf32> to vector<16xf32>
    %mul3A_121 = arith.mulf %get3A_117, %get3A_120 : vector<16xf32>
    %add3A_122 = arith.addf %get3A_114, %mul3A_121 : vector<16xf32>
    %swap3A_123 = arith.constant 16 : index
    %swap3A_124 = tpu.vector_load %arg13[%swap3A_123] {strides = array<i32>} : memref<512xf32, #tpu.memory_space<vmem>>, vector<16xf32>,
    %swap3A_125 = vector.shape_cast %swap3A_124 : vector<16xf32> to vector<16xf32>
    %swap3A_126 = vector.shape_cast %add3A_122 : vector<16xf32> to vector<16xf32>
    tpu.vector_store %arg13[%swap3A_123], %swap3A_126 {strides = array<i32>} : memref<512xf32, #tpu.memory_space<vmem>>, vector<16xf32>,
    %get3A_127 = arith.constant 32 : index
    %get3A_128 = tpu.vector_load %arg11[%get3A_127] {strides = array<i32>} : memref<512xf32, #tpu.memory_space<vmem>>, vector<16xf32>,
    %get3A_129 = vector.shape_cast %get3A_128 : vector<16xf32> to vector<16xf32>
    %get3A_130 = arith.constant 32 : index
    %get3A_131 = tpu.vector_load %arg12[%get3A_130] {strides = array<i32>} : memref<512xf32, #tpu.memory_space<vmem>>, vector<16xf32>,
    %get3A_132 = vector.shape_cast %get3A_131 : vector<16xf32> to vector<16xf32>
    %get3A_133 = arith.constant 32 : index
    %get3A_134 = tpu.vector_load %arg10[%get3A_133] {strides = array<i32>} : memref<512xf32, #tpu.memory_space<vmem>>, vector<16xf32>,
    %get3A_135 = vector.shape_cast %get3A_134 : vector<16xf32> to vector<16xf32>
    %mul3A_136 = arith.mulf %get3A_132, %get3A_135 : vector<16xf32>
    %add3A_137 = arith.addf %get3A_129, %mul3A_136 : vector<16xf32>
    %swap3A_138 = arith.constant 32 : index
    %swap3A_139 = tpu.vector_load %arg13[%swap3A_138] {strides = array<i32>} : memref<512xf32, #tpu.memory_space<vmem>>, vector<16xf32>,
    %swap3A_140 = vector.shape_cast %swap3A_139 : vector<16xf32> to vector<16xf32>
    %swap3A_141 = vector.shape_cast %add3A_137 : vector<16xf32> to vector<16xf32>
    tpu.vector_store %arg13[%swap3A_138], %swap3A_141 {strides = array<i32>} : memref<512xf32, #tpu.memory_space<vmem>>, vector<16xf32>,
    %get3A_142 = arith.constant 48 : index
    %get3A_143 = tpu.vector_load %arg11[%get3A_142] {strides = array<i32>} : memref<512xf32, #tpu.memory_space<vmem>>, vector<16xf32>,
    %get3A_144 = vector.shape_cast %get3A_143 : vector<16xf32> to vector<16xf32>
    %get3A_145 = arith.constant 48 : index
    %get3A_146 = tpu.vector_load %arg12[%get3A_145] {strides = array<i32>} : memref<512xf32, #tpu.memory_space<vmem>>, vector<16xf32>,
    %get3A_147 = vector.shape_cast %get3A_146 : vector<16xf32> to vector<16xf32>
    %get3A_148 = arith.constant 48 : index
    %get3A_149 = tpu.vector_load %arg10[%get3A_148] {strides = array<i32>} : memref<512xf32, #tpu.memory_space<vmem>>, vector<16xf32>,
    %get3A_150 = vector.shape_cast %get3A_149 : vector<16xf32> to vector<16xf32>
    %mul3A_151 = arith.mulf %get3A_147, %get3A_150 : vector<16xf32>
    %add3A_152 = arith.addf %get3A_144, %mul3A_151 : vector<16xf32>
    %swap3A_153 = arith.constant 48 : index
    %swap3A_154 = tpu.vector_load %arg13[%swap3A_153] {strides = array<i32>} : memref<512xf32, #tpu.memory_space<vmem>>, vector<16xf32>,
    %swap3A_155 = vector.shape_cast %swap3A_154 : vector<16xf32> to vector<16xf32>
    %swap3A_156 = vector.shape_cast %add3A_152 : vector<16xf32> to vector<16xf32>
    tpu.vector_store %arg13[%swap3A_153], %swap3A_156 {strides = array<i32>} : memref<512xf32, #tpu.memory_space<vmem>>, vector<16xf32>,
    %get3A_157 = arith.constant 64 : index
    %get3A_158 = tpu.vector_load %arg11[%get3A_157] {strides = array<i32>} : memref<512xf32, #tpu.memory_space<vmem>>, vector<16xf32>,
    %get3A_159 = vector.shape_cast %get3A_158 : vector<16xf32> to vector<16xf32>
    %get3A_160 = arith.constant 64 : index
    %get3A_161 = tpu.vector_load %arg12[%get3A_160] {strides = array<i32>} : memref<512xf32, #tpu.memory_space<vmem>>, vector<16xf32>,
    %get3A_162 = vector.shape_cast %get3A_161 : vector<16xf32> to vector<16xf32>
    %get3A_163 = arith.constant 64 : index
    %get3A_164 = tpu.vector_load %arg10[%get3A_163] {strides = array<i32>} : memref<512xf32, #tpu.memory_space<vmem>>, vector<16xf32>,
    %get3A_165 = vector.shape_cast %get3A_164 : vector<16xf32> to vector<16xf32>
    %mul3A_166 = arith.mulf %get3A_162, %get3A_165 : vector<16xf32>
    %add3A_167 = arith.addf %get3A_159, %mul3A_166 : vector<16xf32>
    %swap3A_168 = arith.constant 64 : index
    %swap3A_169 = tpu.vector_load %arg13[%swap3A_168] {strides = array<i32>} : memref<512xf32, #tpu.memory_space<vmem>>, vector<16xf32>,
    %swap3A_170 = vector.shape_cast %swap3A_169 : vector<16xf32> to vector<16xf32>
    %swap3A_171 = vector.shape_cast %add3A_167 : vector<16xf32> to vector<16xf32>
    tpu.vector_store %arg13[%swap3A_168], %swap3A_171 {strides = array<i32>} : memref<512xf32, #tpu.memory_space<vmem>>, vector<16xf32>,
    %get3A_172 = arith.constant 80 : index
    %get3A_173 = tpu.vector_load %arg11[%get3A_172] {strides = array<i32>} : memref<512xf32, #tpu.memory_space<vmem>>, vector<16xf32>,
    %get3A_174 = vector.shape_cast %get3A_173 : vector<16xf32> to vector<16xf32>
    %get3A_175 = arith.constant 80 : index
    %get3A_176 = tpu.vector_load %arg12[%get3A_175] {strides = array<i32>} : memref<512xf32, #tpu.memory_space<vmem>>, vector<16xf32>,
    %get3A_177 = vector.shape_cast %get3A_176 : vector<16xf32> to vector<16xf32>
    %get3A_178 = arith.constant 80 : index
    %get3A_179 = tpu.vector_load %arg10[%get3A_178] {strides = array<i32>} : memref<512xf32, #tpu.memory_space<vmem>>, vector<16xf32>,
    %get3A_180 = vector.shape_cast %get3A_179 : vector<16xf32> to vector<16xf32>
    %mul3A_181 = arith.mulf %get3A_177, %get3A_180 : vector<16xf32>
    %add3A_182 = arith.addf %get3A_174, %mul3A_181 : vector<16xf32>
    %swap3A_183 = arith.constant 80 : index
    %swap3A_184 = tpu.vector_load %arg13[%swap3A_183] {strides = array<i32>} : memref<512xf32, #tpu.memory_space<vmem>>, vector<16xf32>,
    %swap3A_185 = vector.shape_cast %swap3A_184 : vector<16xf32> to vector<16xf32>
    %swap3A_186 = vector.shape_cast %add3A_182 : vector<16xf32> to vector<16xf32>
    tpu.vector_store %arg13[%swap3A_183], %swap3A_186 {strides = array<i32>} : memref<512xf32, #tpu.memory_space<vmem>>, vector<16xf32>,
    %get3A_187 = arith.constant 96 : index
    %get3A_188 = tpu.vector_load %arg11[%get3A_187] {strides = array<i32>} : memref<512xf32, #tpu.memory_space<vmem>>, vector<16xf32>,
    %get3A_189 = vector.shape_cast %get3A_188 : vector<16xf32> to vector<16xf32>
    %get3A_190 = arith.constant 96 : index
    %get3A_191 = tpu.vector_load %arg12[%get3A_190] {strides = array<i32>} : memref<512xf32, #tpu.memory_space<vmem>>, vector<16xf32>,
    %get3A_192 = vector.shape_cast %get3A_191 : vector<16xf32> to vector<16xf32>
    %get3A_193 = arith.constant 96 : index
    %get3A_194 = tpu.vector_load %arg10[%get3A_193] {strides = array<i32>} : memref<512xf32, #tpu.memory_space<vmem>>, vector<16xf32>,
    %get3A_195 = vector.shape_cast %get3A_194 : vector<16xf32> to vector<16xf32>
    %mul3A_196 = arith.mulf %get3A_192, %get3A_195 : vector<16xf32>
    %add3A_197 = arith.addf %get3A_189, %mul3A_196 : vector<16xf32>
    %swap3A_198 = arith.constant 96 : index
    %swap3A_199 = tpu.vector_load %arg13[%swap3A_198] {strides = array<i32>} : memref<512xf32, #tpu.memory_space<vmem>>, vector<16xf32>,
    %swap3A_200 = vector.shape_cast %swap3A_199 : vector<16xf32> to vector<16xf32>
    %swap3A_201 = vector.shape_cast %add3A_197 : vector<16xf32> to vector<16xf32>
    tpu.vector_store %arg13[%swap3A_198], %swap3A_201 {strides = array<i32>} : memref<512xf32, #tpu.memory_space<vmem>>, vector<16xf32>,
    %get3A_202 = arith.constant 112 : index
    %get3A_203 = tpu.vector_load %arg11[%get3A_202] {strides = array<i32>} : memref<512xf32, #tpu.memory_space<vmem>>, vector<16xf32>,
    %get3A_204 = vector.shape_cast %get3A_203 : vector<16xf32> to vector<16xf32>
    %get3A_205 = arith.constant 112 : index
    %get3A_206 = tpu.vector_load %arg12[%get3A_205] {strides = array<i32>} : memref<512xf32, #tpu.memory_space<vmem>>, vector<16xf32>,
    %get3A_207 = vector.shape_cast %get3A_206 : vector<16xf32> to vector<16xf32>
    %get3A_208 = arith.constant 112 : index
    %get3A_209 = tpu.vector_load %arg10[%get3A_208] {strides = array<i32>} : memref<512xf32, #tpu.memory_space<vmem>>, vector<16xf32>,
    %get3A_210 = vector.shape_cast %get3A_209 : vector<16xf32> to vector<16xf32>
    %mul3A_211 = arith.mulf %get3A_207, %get3A_210 : vector<16xf32>
    %add3A_212 = arith.addf %get3A_204, %mul3A_211 : vector<16xf32>
    %swap3A_213 = arith.constant 112 : index
    %swap3A_214 = tpu.vector_load %arg13[%swap3A_213] {strides = array<i32>} : memref<512xf32, #tpu.memory_space<vmem>>, vector<16xf32>,
    %swap3A_215 = vector.shape_cast %swap3A_214 : vector<16xf32> to vector<16xf32>
    %swap3A_216 = vector.shape_cast %add3A_212 : vector<16xf32> to vector<16xf32>
    tpu.vector_store %arg13[%swap3A_213], %swap3A_216 {strides = array<i32>} : memref<512xf32, #tpu.memory_space<vmem>>, vector<16xf32>,
    %add3A_217 = arith.constant 0 : i32
    %add3A_218 = arith.addi %mul3A_2, %add3A_217 : i32
    %dma_start3A_219 = arith.constant 0 : i32
    %dma_start3A_220 = tpu.memref_slice %arg13[%dma_start3A_219] : memref<512xf32, #tpu.memory_space<vmem>> -> memref<128xf32, #tpu.memory_space<vmem>>
    %dma_start3A_221 = tpu.memref_slice %arg7[%add3A_218] : memref<16384xf32, #tpu.memory_space<hbm>> -> memref<128xf32, #tpu.memory_space<hbm>>
    %dma_start3A_222 = tpu.memref_slice %arg7[%add3A_218] : memref<16384xf32, #tpu.memory_space<hbm>> -> memref<128xf32, #tpu.memory_space<hbm>>
    %dma_start3A_223 = arith.constant 0 : i32
    %dma_start3A_224 = tpu.memref_slice %arg13[%dma_start3A_223] : memref<512xf32, #tpu.memory_space<vmem>> -> memref<128xf32, #tpu.memory_space<vmem>>
    tpu.enqueue_dma source(%dma_start3A_224 : memref<128xf32, #tpu.memory_space<vmem>>) target(%dma_start3A_222 : memref<128xf32, #tpu.memory_space<hbm>>) target_semaphore(%arg16 : memref<!tpu.dma_semaphore, #tpu.memory_space<semaphore_mem>>)
    %dma_wait3A_225 = arith.constant 128 : i32
    %dma_wait3A_226 = tpu.memref_slice %arg10[%dma_wait3A_225] : memref<512xf32, #tpu.memory_space<vmem>> -> memref<128xf32, #tpu.memory_space<vmem>>
    %dma_wait3A_227 = arith.constant 128 : i32
    %dma_wait3A_228 = tpu.memref_slice %arg8[%dma_wait3A_227] : memref<512xi32, #tpu.memory_space<vmem>> -> memref<128xi32, #tpu.memory_space<vmem>>
    %dma_wait3A_229 = arith.constant 0 : i32
    %dma_wait3A_230 = tpu.memref_slice %arg4[%dma_wait3A_229] : memref<1000000xf32, #tpu.memory_space<hbm>> -> memref<1000000xf32, #tpu.memory_space<hbm>>
    tpu.wait_indirect_dma semaphore(%arg18 : memref<!tpu.dma_semaphore, #tpu.memory_space<semaphore_mem>>) src(%dma_wait3A_230 : memref<1000000xf32, #tpu.memory_space<hbm>>) dst(%dma_wait3A_226 : memref<128xf32, #tpu.memory_space<vmem>>)
    %dma_wait3A_231 = arith.constant 128 : i32
    %dma_wait3A_232 = tpu.memref_slice %arg11[%dma_wait3A_231] : memref<512xf32, #tpu.memory_space<vmem>> -> memref<128xf32, #tpu.memory_space<vmem>>
    %dma_wait3A_233 = arith.constant 128 : i32
    %dma_wait3A_234 = tpu.memref_slice %arg9[%dma_wait3A_233] : memref<512xi32, #tpu.memory_space<vmem>> -> memref<128xi32, #tpu.memory_space<vmem>>
    %dma_wait3A_235 = arith.constant 0 : i32
    %dma_wait3A_236 = tpu.memref_slice %arg5[%dma_wait3A_235] : memref<1000000xf32, #tpu.memory_space<hbm>> -> memref<1000000xf32, #tpu.memory_space<hbm>>
    tpu.wait_indirect_dma semaphore(%arg18 : memref<!tpu.dma_semaphore, #tpu.memory_space<semaphore_mem>>) src(%dma_wait3A_236 : memref<1000000xf32, #tpu.memory_space<hbm>>) dst(%dma_wait3A_232 : memref<128xf32, #tpu.memory_space<vmem>>)
    %dma_wait3A_237 = arith.constant 128 : i32
    %dma_wait3A_238 = tpu.memref_slice %arg12[%dma_wait3A_237] : memref<512xf32, #tpu.memory_space<vmem>> -> memref<128xf32, #tpu.memory_space<vmem>>
    %dma_wait3A_239 = arith.constant 128 : i32
    %dma_wait3A_240 = tpu.memref_slice %arg9[%dma_wait3A_239] : memref<512xi32, #tpu.memory_space<vmem>> -> memref<128xi32, #tpu.memory_space<vmem>>
    %dma_wait3A_241 = arith.constant 0 : i32
    %dma_wait3A_242 = tpu.memref_slice %arg6[%dma_wait3A_241] : memref<1000000xf32, #tpu.memory_space<hbm>> -> memref<1000000xf32, #tpu.memory_space<hbm>>
    tpu.wait_indirect_dma semaphore(%arg18 : memref<!tpu.dma_semaphore, #tpu.memory_space<semaphore_mem>>) src(%dma_wait3A_242 : memref<1000000xf32, #tpu.memory_space<hbm>>) dst(%dma_wait3A_238 : memref<128xf32, #tpu.memory_space<vmem>>)
    %get3A_243 = arith.constant 128 : index
    %get3A_244 = tpu.vector_load %arg11[%get3A_243] {strides = array<i32>} : memref<512xf32, #tpu.memory_space<vmem>>, vector<16xf32>,
    %get3A_245 = vector.shape_cast %get3A_244 : vector<16xf32> to vector<16xf32>
    %get3A_246 = arith.constant 128 : index
    %get3A_247 = tpu.vector_load %arg12[%get3A_246] {strides = array<i32>} : memref<512xf32, #tpu.memory_space<vmem>>, vector<16xf32>,
    %get3A_248 = vector.shape_cast %get3A_247 : vector<16xf32> to vector<16xf32>
    %get3A_249 = arith.constant 128 : index
    %get3A_250 = tpu.vector_load %arg10[%get3A_249] {strides = array<i32>} : memref<512xf32, #tpu.memory_space<vmem>>, vector<16xf32>,
    %get3A_251 = vector.shape_cast %get3A_250 : vector<16xf32> to vector<16xf32>
    %mul3A_252 = arith.mulf %get3A_248, %get3A_251 : vector<16xf32>
    %add3A_253 = arith.addf %get3A_245, %mul3A_252 : vector<16xf32>
    %swap3A_254 = arith.constant 128 : index
    %swap3A_255 = tpu.vector_load %arg13[%swap3A_254] {strides = array<i32>} : memref<512xf32, #tpu.memory_space<vmem>>, vector<16xf32>,
    %swap3A_256 = vector.shape_cast %swap3A_255 : vector<16xf32> to vector<16xf32>
    %swap3A_257 = vector.shape_cast %add3A_253 : vector<16xf32> to vector<16xf32>
    tpu.vector_store %arg13[%swap3A_254], %swap3A_257 {strides = array<i32>} : memref<512xf32, #tpu.memory_space<vmem>>, vector<16xf32>,
    %get3A_258 = arith.constant 144 : index
    %get3A_259 = tpu.vector_load %arg11[%get3A_258] {strides = array<i32>} : memref<512xf32, #tpu.memory_space<vmem>>, vector<16xf32>,
    %get3A_260 = vector.shape_cast %get3A_259 : vector<16xf32> to vector<16xf32>
    %get3A_261 = arith.constant 144 : index
    %get3A_262 = tpu.vector_load %arg12[%get3A_261] {strides = array<i32>} : memref<512xf32, #tpu.memory_space<vmem>>, vector<16xf32>,
    %get3A_263 = vector.shape_cast %get3A_262 : vector<16xf32> to vector<16xf32>
    %get3A_264 = arith.constant 144 : index
    %get3A_265 = tpu.vector_load %arg10[%get3A_264] {strides = array<i32>} : memref<512xf32, #tpu.memory_space<vmem>>, vector<16xf32>,
    %get3A_266 = vector.shape_cast %get3A_265 : vector<16xf32> to vector<16xf32>
    %mul3A_267 = arith.mulf %get3A_263, %get3A_266 : vector<16xf32>
    %add3A_268 = arith.addf %get3A_260, %mul3A_267 : vector<16xf32>
    %swap3A_269 = arith.constant 144 : index
    %swap3A_270 = tpu.vector_load %arg13[%swap3A_269] {strides = array<i32>} : memref<512xf32, #tpu.memory_space<vmem>>, vector<16xf32>,
    %swap3A_271 = vector.shape_cast %swap3A_270 : vector<16xf32> to vector<16xf32>
    %swap3A_272 = vector.shape_cast %add3A_268 : vector<16xf32> to vector<16xf32>
    tpu.vector_store %arg13[%swap3A_269], %swap3A_272 {strides = array<i32>} : memref<512xf32, #tpu.memory_space<vmem>>, vector<16xf32>,
    %get3A_273 = arith.constant 160 : index
    %get3A_274 = tpu.vector_load %arg11[%get3A_273] {strides = array<i32>} : memref<512xf32, #tpu.memory_space<vmem>>, vector<16xf32>,
    %get3A_275 = vector.shape_cast %get3A_274 : vector<16xf32> to vector<16xf32>
    %get3A_276 = arith.constant 160 : index
    %get3A_277 = tpu.vector_load %arg12[%get3A_276] {strides = array<i32>} : memref<512xf32, #tpu.memory_space<vmem>>, vector<16xf32>,
    %get3A_278 = vector.shape_cast %get3A_277 : vector<16xf32> to vector<16xf32>
    %get3A_279 = arith.constant 160 : index
    %get3A_280 = tpu.vector_load %arg10[%get3A_279] {strides = array<i32>} : memref<512xf32, #tpu.memory_space<vmem>>, vector<16xf32>,
    %get3A_281 = vector.shape_cast %get3A_280 : vector<16xf32> to vector<16xf32>
    %mul3A_282 = arith.mulf %get3A_278, %get3A_281 : vector<16xf32>
    %add3A_283 = arith.addf %get3A_275, %mul3A_282 : vector<16xf32>
    %swap3A_284 = arith.constant 160 : index
    %swap3A_285 = tpu.vector_load %arg13[%swap3A_284] {strides = array<i32>} : memref<512xf32, #tpu.memory_space<vmem>>, vector<16xf32>,
    %swap3A_286 = vector.shape_cast %swap3A_285 : vector<16xf32> to vector<16xf32>
    %swap3A_287 = vector.shape_cast %add3A_283 : vector<16xf32> to vector<16xf32>
    tpu.vector_store %arg13[%swap3A_284], %swap3A_287 {strides = array<i32>} : memref<512xf32, #tpu.memory_space<vmem>>, vector<16xf32>,
    %get3A_288 = arith.constant 176 : index
    %get3A_289 = tpu.vector_load %arg11[%get3A_288] {strides = array<i32>} : memref<512xf32, #tpu.memory_space<vmem>>, vector<16xf32>,
    %get3A_290 = vector.shape_cast %get3A_289 : vector<16xf32> to vector<16xf32>
    %get3A_291 = arith.constant 176 : index
    %get3A_292 = tpu.vector_load %arg12[%get3A_291] {strides = array<i32>} : memref<512xf32, #tpu.memory_space<vmem>>, vector<16xf32>,
    %get3A_293 = vector.shape_cast %get3A_292 : vector<16xf32> to vector<16xf32>
    %get3A_294 = arith.constant 176 : index
    %get3A_295 = tpu.vector_load %arg10[%get3A_294] {strides = array<i32>} : memref<512xf32, #tpu.memory_space<vmem>>, vector<16xf32>,
    %get3A_296 = vector.shape_cast %get3A_295 : vector<16xf32> to vector<16xf32>
    %mul3A_297 = arith.mulf %get3A_293, %get3A_296 : vector<16xf32>
    %add3A_298 = arith.addf %get3A_290, %mul3A_297 : vector<16xf32>
    %swap3A_299 = arith.constant 176 : index
    %swap3A_300 = tpu.vector_load %arg13[%swap3A_299] {strides = array<i32>} : memref<512xf32, #tpu.memory_space<vmem>>, vector<16xf32>,
    %swap3A_301 = vector.shape_cast %swap3A_300 : vector<16xf32> to vector<16xf32>
    %swap3A_302 = vector.shape_cast %add3A_298 : vector<16xf32> to vector<16xf32>
    tpu.vector_store %arg13[%swap3A_299], %swap3A_302 {strides = array<i32>} : memref<512xf32, #tpu.memory_space<vmem>>, vector<16xf32>,
    %get3A_303 = arith.constant 192 : index
    %get3A_304 = tpu.vector_load %arg11[%get3A_303] {strides = array<i32>} : memref<512xf32, #tpu.memory_space<vmem>>, vector<16xf32>,
    %get3A_305 = vector.shape_cast %get3A_304 : vector<16xf32> to vector<16xf32>
    %get3A_306 = arith.constant 192 : index
    %get3A_307 = tpu.vector_load %arg12[%get3A_306] {strides = array<i32>} : memref<512xf32, #tpu.memory_space<vmem>>, vector<16xf32>,
    %get3A_308 = vector.shape_cast %get3A_307 : vector<16xf32> to vector<16xf32>
    %get3A_309 = arith.constant 192 : index
    %get3A_310 = tpu.vector_load %arg10[%get3A_309] {strides = array<i32>} : memref<512xf32, #tpu.memory_space<vmem>>, vector<16xf32>,
    %get3A_311 = vector.shape_cast %get3A_310 : vector<16xf32> to vector<16xf32>
    %mul3A_312 = arith.mulf %get3A_308, %get3A_311 : vector<16xf32>
    %add3A_313 = arith.addf %get3A_305, %mul3A_312 : vector<16xf32>
    %swap3A_314 = arith.constant 192 : index
    %swap3A_315 = tpu.vector_load %arg13[%swap3A_314] {strides = array<i32>} : memref<512xf32, #tpu.memory_space<vmem>>, vector<16xf32>,
    %swap3A_316 = vector.shape_cast %swap3A_315 : vector<16xf32> to vector<16xf32>
    %swap3A_317 = vector.shape_cast %add3A_313 : vector<16xf32> to vector<16xf32>
    tpu.vector_store %arg13[%swap3A_314], %swap3A_317 {strides = array<i32>} : memref<512xf32, #tpu.memory_space<vmem>>, vector<16xf32>,
    %get3A_318 = arith.constant 208 : index
    %get3A_319 = tpu.vector_load %arg11[%get3A_318] {strides = array<i32>} : memref<512xf32, #tpu.memory_space<vmem>>, vector<16xf32>,
    %get3A_320 = vector.shape_cast %get3A_319 : vector<16xf32> to vector<16xf32>
    %get3A_321 = arith.constant 208 : index
    %get3A_322 = tpu.vector_load %arg12[%get3A_321] {strides = array<i32>} : memref<512xf32, #tpu.memory_space<vmem>>, vector<16xf32>,
    %get3A_323 = vector.shape_cast %get3A_322 : vector<16xf32> to vector<16xf32>
    %get3A_324 = arith.constant 208 : index
    %get3A_325 = tpu.vector_load %arg10[%get3A_324] {strides = array<i32>} : memref<512xf32, #tpu.memory_space<vmem>>, vector<16xf32>,
    %get3A_326 = vector.shape_cast %get3A_325 : vector<16xf32> to vector<16xf32>
    %mul3A_327 = arith.mulf %get3A_323, %get3A_326 : vector<16xf32>
    %add3A_328 = arith.addf %get3A_320, %mul3A_327 : vector<16xf32>
    %swap3A_329 = arith.constant 208 : index
    %swap3A_330 = tpu.vector_load %arg13[%swap3A_329] {strides = array<i32>} : memref<512xf32, #tpu.memory_space<vmem>>, vector<16xf32>,
    %swap3A_331 = vector.shape_cast %swap3A_330 : vector<16xf32> to vector<16xf32>
    %swap3A_332 = vector.shape_cast %add3A_328 : vector<16xf32> to vector<16xf32>
    tpu.vector_store %arg13[%swap3A_329], %swap3A_332 {strides = array<i32>} : memref<512xf32, #tpu.memory_space<vmem>>, vector<16xf32>,
    %get3A_333 = arith.constant 224 : index
    %get3A_334 = tpu.vector_load %arg11[%get3A_333] {strides = array<i32>} : memref<512xf32, #tpu.memory_space<vmem>>, vector<16xf32>,
    %get3A_335 = vector.shape_cast %get3A_334 : vector<16xf32> to vector<16xf32>
    %get3A_336 = arith.constant 224 : index
    %get3A_337 = tpu.vector_load %arg12[%get3A_336] {strides = array<i32>} : memref<512xf32, #tpu.memory_space<vmem>>, vector<16xf32>,
    %get3A_338 = vector.shape_cast %get3A_337 : vector<16xf32> to vector<16xf32>
    %get3A_339 = arith.constant 224 : index
    %get3A_340 = tpu.vector_load %arg10[%get3A_339] {strides = array<i32>} : memref<512xf32, #tpu.memory_space<vmem>>, vector<16xf32>,
    %get3A_341 = vector.shape_cast %get3A_340 : vector<16xf32> to vector<16xf32>
    %mul3A_342 = arith.mulf %get3A_338, %get3A_341 : vector<16xf32>
    %add3A_343 = arith.addf %get3A_335, %mul3A_342 : vector<16xf32>
    %swap3A_344 = arith.constant 224 : index
    %swap3A_345 = tpu.vector_load %arg13[%swap3A_344] {strides = array<i32>} : memref<512xf32, #tpu.memory_space<vmem>>, vector<16xf32>,
    %swap3A_346 = vector.shape_cast %swap3A_345 : vector<16xf32> to vector<16xf32>
    %swap3A_347 = vector.shape_cast %add3A_343 : vector<16xf32> to vector<16xf32>
    tpu.vector_store %arg13[%swap3A_344], %swap3A_347 {strides = array<i32>} : memref<512xf32, #tpu.memory_space<vmem>>, vector<16xf32>,
    %get3A_348 = arith.constant 240 : index
    %get3A_349 = tpu.vector_load %arg11[%get3A_348] {strides = array<i32>} : memref<512xf32, #tpu.memory_space<vmem>>, vector<16xf32>,
    %get3A_350 = vector.shape_cast %get3A_349 : vector<16xf32> to vector<16xf32>
    %get3A_351 = arith.constant 240 : index
    %get3A_352 = tpu.vector_load %arg12[%get3A_351] {strides = array<i32>} : memref<512xf32, #tpu.memory_space<vmem>>, vector<16xf32>,
    %get3A_353 = vector.shape_cast %get3A_352 : vector<16xf32> to vector<16xf32>
    %get3A_354 = arith.constant 240 : index
    %get3A_355 = tpu.vector_load %arg10[%get3A_354] {strides = array<i32>} : memref<512xf32, #tpu.memory_space<vmem>>, vector<16xf32>,
    %get3A_356 = vector.shape_cast %get3A_355 : vector<16xf32> to vector<16xf32>
    %mul3A_357 = arith.mulf %get3A_353, %get3A_356 : vector<16xf32>
    %add3A_358 = arith.addf %get3A_350, %mul3A_357 : vector<16xf32>
    %swap3A_359 = arith.constant 240 : index
    %swap3A_360 = tpu.vector_load %arg13[%swap3A_359] {strides = array<i32>} : memref<512xf32, #tpu.memory_space<vmem>>, vector<16xf32>,
    %swap3A_361 = vector.shape_cast %swap3A_360 : vector<16xf32> to vector<16xf32>
    %swap3A_362 = vector.shape_cast %add3A_358 : vector<16xf32> to vector<16xf32>
    tpu.vector_store %arg13[%swap3A_359], %swap3A_362 {strides = array<i32>} : memref<512xf32, #tpu.memory_space<vmem>>, vector<16xf32>,
    %add3A_363 = arith.constant 128 : i32
    %add3A_364 = arith.addi %mul3A_2, %add3A_363 : i32
    %dma_start3A_365 = arith.constant 128 : i32
    %dma_start3A_366 = tpu.memref_slice %arg13[%dma_start3A_365] : memref<512xf32, #tpu.memory_space<vmem>> -> memref<128xf32, #tpu.memory_space<vmem>>
    %dma_start3A_367 = tpu.memref_slice %arg7[%add3A_364] : memref<16384xf32, #tpu.memory_space<hbm>> -> memref<128xf32, #tpu.memory_space<hbm>>
    %dma_start3A_368 = tpu.memref_slice %arg7[%add3A_364] : memref<16384xf32, #tpu.memory_space<hbm>> -> memref<128xf32, #tpu.memory_space<hbm>>
    %dma_start3A_369 = arith.constant 128 : i32
    %dma_start3A_370 = tpu.memref_slice %arg13[%dma_start3A_369] : memref<512xf32, #tpu.memory_space<vmem>> -> memref<128xf32, #tpu.memory_space<vmem>>
    tpu.enqueue_dma source(%dma_start3A_370 : memref<128xf32, #tpu.memory_space<vmem>>) target(%dma_start3A_368 : memref<128xf32, #tpu.memory_space<hbm>>) target_semaphore(%arg16 : memref<!tpu.dma_semaphore, #tpu.memory_space<semaphore_mem>>)
    %dma_wait3A_371 = arith.constant 256 : i32
    %dma_wait3A_372 = tpu.memref_slice %arg10[%dma_wait3A_371] : memref<512xf32, #tpu.memory_space<vmem>> -> memref<128xf32, #tpu.memory_space<vmem>>
    %dma_wait3A_373 = arith.constant 256 : i32
    %dma_wait3A_374 = tpu.memref_slice %arg8[%dma_wait3A_373] : memref<512xi32, #tpu.memory_space<vmem>> -> memref<128xi32, #tpu.memory_space<vmem>>
    %dma_wait3A_375 = arith.constant 0 : i32
    %dma_wait3A_376 = tpu.memref_slice %arg4[%dma_wait3A_375] : memref<1000000xf32, #tpu.memory_space<hbm>> -> memref<1000000xf32, #tpu.memory_space<hbm>>
    tpu.wait_indirect_dma semaphore(%arg19 : memref<!tpu.dma_semaphore, #tpu.memory_space<semaphore_mem>>) src(%dma_wait3A_376 : memref<1000000xf32, #tpu.memory_space<hbm>>) dst(%dma_wait3A_372 : memref<128xf32, #tpu.memory_space<vmem>>)
    %dma_wait3A_377 = arith.constant 256 : i32
    %dma_wait3A_378 = tpu.memref_slice %arg11[%dma_wait3A_377] : memref<512xf32, #tpu.memory_space<vmem>> -> memref<128xf32, #tpu.memory_space<vmem>>
    %dma_wait3A_379 = arith.constant 256 : i32
    %dma_wait3A_380 = tpu.memref_slice %arg9[%dma_wait3A_379] : memref<512xi32, #tpu.memory_space<vmem>> -> memref<128xi32, #tpu.memory_space<vmem>>
    %dma_wait3A_381 = arith.constant 0 : i32
    %dma_wait3A_382 = tpu.memref_slice %arg5[%dma_wait3A_381] : memref<1000000xf32, #tpu.memory_space<hbm>> -> memref<1000000xf32, #tpu.memory_space<hbm>>
    tpu.wait_indirect_dma semaphore(%arg19 : memref<!tpu.dma_semaphore, #tpu.memory_space<semaphore_mem>>) src(%dma_wait3A_382 : memref<1000000xf32, #tpu.memory_space<hbm>>) dst(%dma_wait3A_378 : memref<128xf32, #tpu.memory_space<vmem>>)
    %dma_wait3A_383 = arith.constant 256 : i32
    %dma_wait3A_384 = tpu.memref_slice %arg12[%dma_wait3A_383] : memref<512xf32, #tpu.memory_space<vmem>> -> memref<128xf32, #tpu.memory_space<vmem>>
    %dma_wait3A_385 = arith.constant 256 : i32
    %dma_wait3A_386 = tpu.memref_slice %arg9[%dma_wait3A_385] : memref<512xi32, #tpu.memory_space<vmem>> -> memref<128xi32, #tpu.memory_space<vmem>>
    %dma_wait3A_387 = arith.constant 0 : i32
    %dma_wait3A_388 = tpu.memref_slice %arg6[%dma_wait3A_387] : memref<1000000xf32, #tpu.memory_space<hbm>> -> memref<1000000xf32, #tpu.memory_space<hbm>>
    tpu.wait_indirect_dma semaphore(%arg19 : memref<!tpu.dma_semaphore, #tpu.memory_space<semaphore_mem>>) src(%dma_wait3A_388 : memref<1000000xf32, #tpu.memory_space<hbm>>) dst(%dma_wait3A_384 : memref<128xf32, #tpu.memory_space<vmem>>)
    %get3A_389 = arith.constant 256 : index
    %get3A_390 = tpu.vector_load %arg11[%get3A_389] {strides = array<i32>} : memref<512xf32, #tpu.memory_space<vmem>>, vector<16xf32>,
    %get3A_391 = vector.shape_cast %get3A_390 : vector<16xf32> to vector<16xf32>
    %get3A_392 = arith.constant 256 : index
    %get3A_393 = tpu.vector_load %arg12[%get3A_392] {strides = array<i32>} : memref<512xf32, #tpu.memory_space<vmem>>, vector<16xf32>,
    %get3A_394 = vector.shape_cast %get3A_393 : vector<16xf32> to vector<16xf32>
    %get3A_395 = arith.constant 256 : index
    %get3A_396 = tpu.vector_load %arg10[%get3A_395] {strides = array<i32>} : memref<512xf32, #tpu.memory_space<vmem>>, vector<16xf32>,
    %get3A_397 = vector.shape_cast %get3A_396 : vector<16xf32> to vector<16xf32>
    %mul3A_398 = arith.mulf %get3A_394, %get3A_397 : vector<16xf32>
    %add3A_399 = arith.addf %get3A_391, %mul3A_398 : vector<16xf32>
    %swap3A_400 = arith.constant 256 : index
    %swap3A_401 = tpu.vector_load %arg13[%swap3A_400] {strides = array<i32>} : memref<512xf32, #tpu.memory_space<vmem>>, vector<16xf32>,
    %swap3A_402 = vector.shape_cast %swap3A_401 : vector<16xf32> to vector<16xf32>
    %swap3A_403 = vector.shape_cast %add3A_399 : vector<16xf32> to vector<16xf32>
    tpu.vector_store %arg13[%swap3A_400], %swap3A_403 {strides = array<i32>} : memref<512xf32, #tpu.memory_space<vmem>>, vector<16xf32>,
    %get3A_404 = arith.constant 272 : index
    %get3A_405 = tpu.vector_load %arg11[%get3A_404] {strides = array<i32>} : memref<512xf32, #tpu.memory_space<vmem>>, vector<16xf32>,
    %get3A_406 = vector.shape_cast %get3A_405 : vector<16xf32> to vector<16xf32>
    %get3A_407 = arith.constant 272 : index
    %get3A_408 = tpu.vector_load %arg12[%get3A_407] {strides = array<i32>} : memref<512xf32, #tpu.memory_space<vmem>>, vector<16xf32>,
    %get3A_409 = vector.shape_cast %get3A_408 : vector<16xf32> to vector<16xf32>
    %get3A_410 = arith.constant 272 : index
    %get3A_411 = tpu.vector_load %arg10[%get3A_410] {strides = array<i32>} : memref<512xf32, #tpu.memory_space<vmem>>, vector<16xf32>,
    %get3A_412 = vector.shape_cast %get3A_411 : vector<16xf32> to vector<16xf32>
    %mul3A_413 = arith.mulf %get3A_409, %get3A_412 : vector<16xf32>
    %add3A_414 = arith.addf %get3A_406, %mul3A_413 : vector<16xf32>
    %swap3A_415 = arith.constant 272 : index
    %swap3A_416 = tpu.vector_load %arg13[%swap3A_415] {strides = array<i32>} : memref<512xf32, #tpu.memory_space<vmem>>, vector<16xf32>,
    %swap3A_417 = vector.shape_cast %swap3A_416 : vector<16xf32> to vector<16xf32>
    %swap3A_418 = vector.shape_cast %add3A_414 : vector<16xf32> to vector<16xf32>
    tpu.vector_store %arg13[%swap3A_415], %swap3A_418 {strides = array<i32>} : memref<512xf32, #tpu.memory_space<vmem>>, vector<16xf32>,
    %get3A_419 = arith.constant 288 : index
    %get3A_420 = tpu.vector_load %arg11[%get3A_419] {strides = array<i32>} : memref<512xf32, #tpu.memory_space<vmem>>, vector<16xf32>,
    %get3A_421 = vector.shape_cast %get3A_420 : vector<16xf32> to vector<16xf32>
    %get3A_422 = arith.constant 288 : index
    %get3A_423 = tpu.vector_load %arg12[%get3A_422] {strides = array<i32>} : memref<512xf32, #tpu.memory_space<vmem>>, vector<16xf32>,
    %get3A_424 = vector.shape_cast %get3A_423 : vector<16xf32> to vector<16xf32>
    %get3A_425 = arith.constant 288 : index
    %get3A_426 = tpu.vector_load %arg10[%get3A_425] {strides = array<i32>} : memref<512xf32, #tpu.memory_space<vmem>>, vector<16xf32>,
    %get3A_427 = vector.shape_cast %get3A_426 : vector<16xf32> to vector<16xf32>
    %mul3A_428 = arith.mulf %get3A_424, %get3A_427 : vector<16xf32>
    %add3A_429 = arith.addf %get3A_421, %mul3A_428 : vector<16xf32>
    %swap3A_430 = arith.constant 288 : index
    %swap3A_431 = tpu.vector_load %arg13[%swap3A_430] {strides = array<i32>} : memref<512xf32, #tpu.memory_space<vmem>>, vector<16xf32>,
    %swap3A_432 = vector.shape_cast %swap3A_431 : vector<16xf32> to vector<16xf32>
    %swap3A_433 = vector.shape_cast %add3A_429 : vector<16xf32> to vector<16xf32>
    tpu.vector_store %arg13[%swap3A_430], %swap3A_433 {strides = array<i32>} : memref<512xf32, #tpu.memory_space<vmem>>, vector<16xf32>,
    %get3A_434 = arith.constant 304 : index
    %get3A_435 = tpu.vector_load %arg11[%get3A_434] {strides = array<i32>} : memref<512xf32, #tpu.memory_space<vmem>>, vector<16xf32>,
    %get3A_436 = vector.shape_cast %get3A_435 : vector<16xf32> to vector<16xf32>
    %get3A_437 = arith.constant 304 : index
    %get3A_438 = tpu.vector_load %arg12[%get3A_437] {strides = array<i32>} : memref<512xf32, #tpu.memory_space<vmem>>, vector<16xf32>,
    %get3A_439 = vector.shape_cast %get3A_438 : vector<16xf32> to vector<16xf32>
    %get3A_440 = arith.constant 304 : index
    %get3A_441 = tpu.vector_load %arg10[%get3A_440] {strides = array<i32>} : memref<512xf32, #tpu.memory_space<vmem>>, vector<16xf32>,
    %get3A_442 = vector.shape_cast %get3A_441 : vector<16xf32> to vector<16xf32>
    %mul3A_443 = arith.mulf %get3A_439, %get3A_442 : vector<16xf32>
    %add3A_444 = arith.addf %get3A_436, %mul3A_443 : vector<16xf32>
    %swap3A_445 = arith.constant 304 : index
    %swap3A_446 = tpu.vector_load %arg13[%swap3A_445] {strides = array<i32>} : memref<512xf32, #tpu.memory_space<vmem>>, vector<16xf32>,
    %swap3A_447 = vector.shape_cast %swap3A_446 : vector<16xf32> to vector<16xf32>
    %swap3A_448 = vector.shape_cast %add3A_444 : vector<16xf32> to vector<16xf32>
    tpu.vector_store %arg13[%swap3A_445], %swap3A_448 {strides = array<i32>} : memref<512xf32, #tpu.memory_space<vmem>>, vector<16xf32>,
    %get3A_449 = arith.constant 320 : index
    %get3A_450 = tpu.vector_load %arg11[%get3A_449] {strides = array<i32>} : memref<512xf32, #tpu.memory_space<vmem>>, vector<16xf32>,
    %get3A_451 = vector.shape_cast %get3A_450 : vector<16xf32> to vector<16xf32>
    %get3A_452 = arith.constant 320 : index
    %get3A_453 = tpu.vector_load %arg12[%get3A_452] {strides = array<i32>} : memref<512xf32, #tpu.memory_space<vmem>>, vector<16xf32>,
    %get3A_454 = vector.shape_cast %get3A_453 : vector<16xf32> to vector<16xf32>
    %get3A_455 = arith.constant 320 : index
    %get3A_456 = tpu.vector_load %arg10[%get3A_455] {strides = array<i32>} : memref<512xf32, #tpu.memory_space<vmem>>, vector<16xf32>,
    %get3A_457 = vector.shape_cast %get3A_456 : vector<16xf32> to vector<16xf32>
    %mul3A_458 = arith.mulf %get3A_454, %get3A_457 : vector<16xf32>
    %add3A_459 = arith.addf %get3A_451, %mul3A_458 : vector<16xf32>
    %swap3A_460 = arith.constant 320 : index
    %swap3A_461 = tpu.vector_load %arg13[%swap3A_460] {strides = array<i32>} : memref<512xf32, #tpu.memory_space<vmem>>, vector<16xf32>,
    %swap3A_462 = vector.shape_cast %swap3A_461 : vector<16xf32> to vector<16xf32>
    %swap3A_463 = vector.shape_cast %add3A_459 : vector<16xf32> to vector<16xf32>
    tpu.vector_store %arg13[%swap3A_460], %swap3A_463 {strides = array<i32>} : memref<512xf32, #tpu.memory_space<vmem>>, vector<16xf32>,
    %get3A_464 = arith.constant 336 : index
    %get3A_465 = tpu.vector_load %arg11[%get3A_464] {strides = array<i32>} : memref<512xf32, #tpu.memory_space<vmem>>, vector<16xf32>,
    %get3A_466 = vector.shape_cast %get3A_465 : vector<16xf32> to vector<16xf32>
    %get3A_467 = arith.constant 336 : index
    %get3A_468 = tpu.vector_load %arg12[%get3A_467] {strides = array<i32>} : memref<512xf32, #tpu.memory_space<vmem>>, vector<16xf32>,
    %get3A_469 = vector.shape_cast %get3A_468 : vector<16xf32> to vector<16xf32>
    %get3A_470 = arith.constant 336 : index
    %get3A_471 = tpu.vector_load %arg10[%get3A_470] {strides = array<i32>} : memref<512xf32, #tpu.memory_space<vmem>>, vector<16xf32>,
    %get3A_472 = vector.shape_cast %get3A_471 : vector<16xf32> to vector<16xf32>
    %mul3A_473 = arith.mulf %get3A_469, %get3A_472 : vector<16xf32>
    %add3A_474 = arith.addf %get3A_466, %mul3A_473 : vector<16xf32>
    %swap3A_475 = arith.constant 336 : index
    %swap3A_476 = tpu.vector_load %arg13[%swap3A_475] {strides = array<i32>} : memref<512xf32, #tpu.memory_space<vmem>>, vector<16xf32>,
    %swap3A_477 = vector.shape_cast %swap3A_476 : vector<16xf32> to vector<16xf32>
    %swap3A_478 = vector.shape_cast %add3A_474 : vector<16xf32> to vector<16xf32>
    tpu.vector_store %arg13[%swap3A_475], %swap3A_478 {strides = array<i32>} : memref<512xf32, #tpu.memory_space<vmem>>, vector<16xf32>,
    %get3A_479 = arith.constant 352 : index
    %get3A_480 = tpu.vector_load %arg11[%get3A_479] {strides = array<i32>} : memref<512xf32, #tpu.memory_space<vmem>>, vector<16xf32>,
    %get3A_481 = vector.shape_cast %get3A_480 : vector<16xf32> to vector<16xf32>
    %get3A_482 = arith.constant 352 : index
    %get3A_483 = tpu.vector_load %arg12[%get3A_482] {strides = array<i32>} : memref<512xf32, #tpu.memory_space<vmem>>, vector<16xf32>,
    %get3A_484 = vector.shape_cast %get3A_483 : vector<16xf32> to vector<16xf32>
    %get3A_485 = arith.constant 352 : index
    %get3A_486 = tpu.vector_load %arg10[%get3A_485] {strides = array<i32>} : memref<512xf32, #tpu.memory_space<vmem>>, vector<16xf32>,
    %get3A_487 = vector.shape_cast %get3A_486 : vector<16xf32> to vector<16xf32>
    %mul3A_488 = arith.mulf %get3A_484, %get3A_487 : vector<16xf32>
    %add3A_489 = arith.addf %get3A_481, %mul3A_488 : vector<16xf32>
    %swap3A_490 = arith.constant 352 : index
    %swap3A_491 = tpu.vector_load %arg13[%swap3A_490] {strides = array<i32>} : memref<512xf32, #tpu.memory_space<vmem>>, vector<16xf32>,
    %swap3A_492 = vector.shape_cast %swap3A_491 : vector<16xf32> to vector<16xf32>
    %swap3A_493 = vector.shape_cast %add3A_489 : vector<16xf32> to vector<16xf32>
    tpu.vector_store %arg13[%swap3A_490], %swap3A_493 {strides = array<i32>} : memref<512xf32, #tpu.memory_space<vmem>>, vector<16xf32>,
    %get3A_494 = arith.constant 368 : index
    %get3A_495 = tpu.vector_load %arg11[%get3A_494] {strides = array<i32>} : memref<512xf32, #tpu.memory_space<vmem>>, vector<16xf32>,
    %get3A_496 = vector.shape_cast %get3A_495 : vector<16xf32> to vector<16xf32>
    %get3A_497 = arith.constant 368 : index
    %get3A_498 = tpu.vector_load %arg12[%get3A_497] {strides = array<i32>} : memref<512xf32, #tpu.memory_space<vmem>>, vector<16xf32>,
    %get3A_499 = vector.shape_cast %get3A_498 : vector<16xf32> to vector<16xf32>
    %get3A_500 = arith.constant 368 : index
    %get3A_501 = tpu.vector_load %arg10[%get3A_500] {strides = array<i32>} : memref<512xf32, #tpu.memory_space<vmem>>, vector<16xf32>,
    %get3A_502 = vector.shape_cast %get3A_501 : vector<16xf32> to vector<16xf32>
    %mul3A_503 = arith.mulf %get3A_499, %get3A_502 : vector<16xf32>
    %add3A_504 = arith.addf %get3A_496, %mul3A_503 : vector<16xf32>
    %swap3A_505 = arith.constant 368 : index
    %swap3A_506 = tpu.vector_load %arg13[%swap3A_505] {strides = array<i32>} : memref<512xf32, #tpu.memory_space<vmem>>, vector<16xf32>,
    %swap3A_507 = vector.shape_cast %swap3A_506 : vector<16xf32> to vector<16xf32>
    %swap3A_508 = vector.shape_cast %add3A_504 : vector<16xf32> to vector<16xf32>
    tpu.vector_store %arg13[%swap3A_505], %swap3A_508 {strides = array<i32>} : memref<512xf32, #tpu.memory_space<vmem>>, vector<16xf32>,
    %add3A_509 = arith.constant 256 : i32
    %add3A_510 = arith.addi %mul3A_2, %add3A_509 : i32
    %dma_start3A_511 = arith.constant 256 : i32
    %dma_start3A_512 = tpu.memref_slice %arg13[%dma_start3A_511] : memref<512xf32, #tpu.memory_space<vmem>> -> memref<128xf32, #tpu.memory_space<vmem>>
    %dma_start3A_513 = tpu.memref_slice %arg7[%add3A_510] : memref<16384xf32, #tpu.memory_space<hbm>> -> memref<128xf32, #tpu.memory_space<hbm>>
    %dma_start3A_514 = tpu.memref_slice %arg7[%add3A_510] : memref<16384xf32, #tpu.memory_space<hbm>> -> memref<128xf32, #tpu.memory_space<hbm>>
    %dma_start3A_515 = arith.constant 256 : i32
    %dma_start3A_516 = tpu.memref_slice %arg13[%dma_start3A_515] : memref<512xf32, #tpu.memory_space<vmem>> -> memref<128xf32, #tpu.memory_space<vmem>>
    tpu.enqueue_dma source(%dma_start3A_516 : memref<128xf32, #tpu.memory_space<vmem>>) target(%dma_start3A_514 : memref<128xf32, #tpu.memory_space<hbm>>) target_semaphore(%arg16 : memref<!tpu.dma_semaphore, #tpu.memory_space<semaphore_mem>>)
    %dma_wait3A_517 = arith.constant 384 : i32
    %dma_wait3A_518 = tpu.memref_slice %arg10[%dma_wait3A_517] : memref<512xf32, #tpu.memory_space<vmem>> -> memref<128xf32, #tpu.memory_space<vmem>>
    %dma_wait3A_519 = arith.constant 384 : i32
    %dma_wait3A_520 = tpu.memref_slice %arg8[%dma_wait3A_519] : memref<512xi32, #tpu.memory_space<vmem>> -> memref<128xi32, #tpu.memory_space<vmem>>
    %dma_wait3A_521 = arith.constant 0 : i32
    %dma_wait3A_522 = tpu.memref_slice %arg4[%dma_wait3A_521] : memref<1000000xf32, #tpu.memory_space<hbm>> -> memref<1000000xf32, #tpu.memory_space<hbm>>
    tpu.wait_indirect_dma semaphore(%arg20 : memref<!tpu.dma_semaphore, #tpu.memory_space<semaphore_mem>>) src(%dma_wait3A_522 : memref<1000000xf32, #tpu.memory_space<hbm>>) dst(%dma_wait3A_518 : memref<128xf32, #tpu.memory_space<vmem>>)
    %dma_wait3A_523 = arith.constant 384 : i32
    %dma_wait3A_524 = tpu.memref_slice %arg11[%dma_wait3A_523] : memref<512xf32, #tpu.memory_space<vmem>> -> memref<128xf32, #tpu.memory_space<vmem>>
    %dma_wait3A_525 = arith.constant 384 : i32
    %dma_wait3A_526 = tpu.memref_slice %arg9[%dma_wait3A_525] : memref<512xi32, #tpu.memory_space<vmem>> -> memref<128xi32, #tpu.memory_space<vmem>>
    %dma_wait3A_527 = arith.constant 0 : i32
    %dma_wait3A_528 = tpu.memref_slice %arg5[%dma_wait3A_527] : memref<1000000xf32, #tpu.memory_space<hbm>> -> memref<1000000xf32, #tpu.memory_space<hbm>>
    tpu.wait_indirect_dma semaphore(%arg20 : memref<!tpu.dma_semaphore, #tpu.memory_space<semaphore_mem>>) src(%dma_wait3A_528 : memref<1000000xf32, #tpu.memory_space<hbm>>) dst(%dma_wait3A_524 : memref<128xf32, #tpu.memory_space<vmem>>)
    %dma_wait3A_529 = arith.constant 384 : i32
    %dma_wait3A_530 = tpu.memref_slice %arg12[%dma_wait3A_529] : memref<512xf32, #tpu.memory_space<vmem>> -> memref<128xf32, #tpu.memory_space<vmem>>
    %dma_wait3A_531 = arith.constant 384 : i32
    %dma_wait3A_532 = tpu.memref_slice %arg9[%dma_wait3A_531] : memref<512xi32, #tpu.memory_space<vmem>> -> memref<128xi32, #tpu.memory_space<vmem>>
    %dma_wait3A_533 = arith.constant 0 : i32
    %dma_wait3A_534 = tpu.memref_slice %arg6[%dma_wait3A_533] : memref<1000000xf32, #tpu.memory_space<hbm>> -> memref<1000000xf32, #tpu.memory_space<hbm>>
    tpu.wait_indirect_dma semaphore(%arg20 : memref<!tpu.dma_semaphore, #tpu.memory_space<semaphore_mem>>) src(%dma_wait3A_534 : memref<1000000xf32, #tpu.memory_space<hbm>>) dst(%dma_wait3A_530 : memref<128xf32, #tpu.memory_space<vmem>>)
    %get3A_535 = arith.constant 384 : index
    %get3A_536 = tpu.vector_load %arg11[%get3A_535] {strides = array<i32>} : memref<512xf32, #tpu.memory_space<vmem>>, vector<16xf32>,
    %get3A_537 = vector.shape_cast %get3A_536 : vector<16xf32> to vector<16xf32>
    %get3A_538 = arith.constant 384 : index
    %get3A_539 = tpu.vector_load %arg12[%get3A_538] {strides = array<i32>} : memref<512xf32, #tpu.memory_space<vmem>>, vector<16xf32>,
    %get3A_540 = vector.shape_cast %get3A_539 : vector<16xf32> to vector<16xf32>
    %get3A_541 = arith.constant 384 : index
    %get3A_542 = tpu.vector_load %arg10[%get3A_541] {strides = array<i32>} : memref<512xf32, #tpu.memory_space<vmem>>, vector<16xf32>,
    %get3A_543 = vector.shape_cast %get3A_542 : vector<16xf32> to vector<16xf32>
    %mul3A_544 = arith.mulf %get3A_540, %get3A_543 : vector<16xf32>
    %add3A_545 = arith.addf %get3A_537, %mul3A_544 : vector<16xf32>
    %swap3A_546 = arith.constant 384 : index
    %swap3A_547 = tpu.vector_load %arg13[%swap3A_546] {strides = array<i32>} : memref<512xf32, #tpu.memory_space<vmem>>, vector<16xf32>,
    %swap3A_548 = vector.shape_cast %swap3A_547 : vector<16xf32> to vector<16xf32>
    %swap3A_549 = vector.shape_cast %add3A_545 : vector<16xf32> to vector<16xf32>
    tpu.vector_store %arg13[%swap3A_546], %swap3A_549 {strides = array<i32>} : memref<512xf32, #tpu.memory_space<vmem>>, vector<16xf32>,
    %get3A_550 = arith.constant 400 : index
    %get3A_551 = tpu.vector_load %arg11[%get3A_550] {strides = array<i32>} : memref<512xf32, #tpu.memory_space<vmem>>, vector<16xf32>,
    %get3A_552 = vector.shape_cast %get3A_551 : vector<16xf32> to vector<16xf32>
    %get3A_553 = arith.constant 400 : index
    %get3A_554 = tpu.vector_load %arg12[%get3A_553] {strides = array<i32>} : memref<512xf32, #tpu.memory_space<vmem>>, vector<16xf32>,
    %get3A_555 = vector.shape_cast %get3A_554 : vector<16xf32> to vector<16xf32>
    %get3A_556 = arith.constant 400 : index
    %get3A_557 = tpu.vector_load %arg10[%get3A_556] {strides = array<i32>} : memref<512xf32, #tpu.memory_space<vmem>>, vector<16xf32>,
    %get3A_558 = vector.shape_cast %get3A_557 : vector<16xf32> to vector<16xf32>
    %mul3A_559 = arith.mulf %get3A_555, %get3A_558 : vector<16xf32>
    %add3A_560 = arith.addf %get3A_552, %mul3A_559 : vector<16xf32>
    %swap3A_561 = arith.constant 400 : index
    %swap3A_562 = tpu.vector_load %arg13[%swap3A_561] {strides = array<i32>} : memref<512xf32, #tpu.memory_space<vmem>>, vector<16xf32>,
    %swap3A_563 = vector.shape_cast %swap3A_562 : vector<16xf32> to vector<16xf32>
    %swap3A_564 = vector.shape_cast %add3A_560 : vector<16xf32> to vector<16xf32>
    tpu.vector_store %arg13[%swap3A_561], %swap3A_564 {strides = array<i32>} : memref<512xf32, #tpu.memory_space<vmem>>, vector<16xf32>,
    %get3A_565 = arith.constant 416 : index
    %get3A_566 = tpu.vector_load %arg11[%get3A_565] {strides = array<i32>} : memref<512xf32, #tpu.memory_space<vmem>>, vector<16xf32>,
    %get3A_567 = vector.shape_cast %get3A_566 : vector<16xf32> to vector<16xf32>
    %get3A_568 = arith.constant 416 : index
    %get3A_569 = tpu.vector_load %arg12[%get3A_568] {strides = array<i32>} : memref<512xf32, #tpu.memory_space<vmem>>, vector<16xf32>,
    %get3A_570 = vector.shape_cast %get3A_569 : vector<16xf32> to vector<16xf32>
    %get3A_571 = arith.constant 416 : index
    %get3A_572 = tpu.vector_load %arg10[%get3A_571] {strides = array<i32>} : memref<512xf32, #tpu.memory_space<vmem>>, vector<16xf32>,
    %get3A_573 = vector.shape_cast %get3A_572 : vector<16xf32> to vector<16xf32>
    %mul3A_574 = arith.mulf %get3A_570, %get3A_573 : vector<16xf32>
    %add3A_575 = arith.addf %get3A_567, %mul3A_574 : vector<16xf32>
    %swap3A_576 = arith.constant 416 : index
    %swap3A_577 = tpu.vector_load %arg13[%swap3A_576] {strides = array<i32>} : memref<512xf32, #tpu.memory_space<vmem>>, vector<16xf32>,
    %swap3A_578 = vector.shape_cast %swap3A_577 : vector<16xf32> to vector<16xf32>
    %swap3A_579 = vector.shape_cast %add3A_575 : vector<16xf32> to vector<16xf32>
    tpu.vector_store %arg13[%swap3A_576], %swap3A_579 {strides = array<i32>} : memref<512xf32, #tpu.memory_space<vmem>>, vector<16xf32>,
    %get3A_580 = arith.constant 432 : index
    %get3A_581 = tpu.vector_load %arg11[%get3A_580] {strides = array<i32>} : memref<512xf32, #tpu.memory_space<vmem>>, vector<16xf32>,
    %get3A_582 = vector.shape_cast %get3A_581 : vector<16xf32> to vector<16xf32>
    %get3A_583 = arith.constant 432 : index
    %get3A_584 = tpu.vector_load %arg12[%get3A_583] {strides = array<i32>} : memref<512xf32, #tpu.memory_space<vmem>>, vector<16xf32>,
    %get3A_585 = vector.shape_cast %get3A_584 : vector<16xf32> to vector<16xf32>
    %get3A_586 = arith.constant 432 : index
    %get3A_587 = tpu.vector_load %arg10[%get3A_586] {strides = array<i32>} : memref<512xf32, #tpu.memory_space<vmem>>, vector<16xf32>,
    %get3A_588 = vector.shape_cast %get3A_587 : vector<16xf32> to vector<16xf32>
    %mul3A_589 = arith.mulf %get3A_585, %get3A_588 : vector<16xf32>
    %add3A_590 = arith.addf %get3A_582, %mul3A_589 : vector<16xf32>
    %swap3A_591 = arith.constant 432 : index
    %swap3A_592 = tpu.vector_load %arg13[%swap3A_591] {strides = array<i32>} : memref<512xf32, #tpu.memory_space<vmem>>, vector<16xf32>,
    %swap3A_593 = vector.shape_cast %swap3A_592 : vector<16xf32> to vector<16xf32>
    %swap3A_594 = vector.shape_cast %add3A_590 : vector<16xf32> to vector<16xf32>
    tpu.vector_store %arg13[%swap3A_591], %swap3A_594 {strides = array<i32>} : memref<512xf32, #tpu.memory_space<vmem>>, vector<16xf32>,
    %get3A_595 = arith.constant 448 : index
    %get3A_596 = tpu.vector_load %arg11[%get3A_595] {strides = array<i32>} : memref<512xf32, #tpu.memory_space<vmem>>, vector<16xf32>,
    %get3A_597 = vector.shape_cast %get3A_596 : vector<16xf32> to vector<16xf32>
    %get3A_598 = arith.constant 448 : index
    %get3A_599 = tpu.vector_load %arg12[%get3A_598] {strides = array<i32>} : memref<512xf32, #tpu.memory_space<vmem>>, vector<16xf32>,
    %get3A_600 = vector.shape_cast %get3A_599 : vector<16xf32> to vector<16xf32>
    %get3A_601 = arith.constant 448 : index
    %get3A_602 = tpu.vector_load %arg10[%get3A_601] {strides = array<i32>} : memref<512xf32, #tpu.memory_space<vmem>>, vector<16xf32>,
    %get3A_603 = vector.shape_cast %get3A_602 : vector<16xf32> to vector<16xf32>
    %mul3A_604 = arith.mulf %get3A_600, %get3A_603 : vector<16xf32>
    %add3A_605 = arith.addf %get3A_597, %mul3A_604 : vector<16xf32>
    %swap3A_606 = arith.constant 448 : index
    %swap3A_607 = tpu.vector_load %arg13[%swap3A_606] {strides = array<i32>} : memref<512xf32, #tpu.memory_space<vmem>>, vector<16xf32>,
    %swap3A_608 = vector.shape_cast %swap3A_607 : vector<16xf32> to vector<16xf32>
    %swap3A_609 = vector.shape_cast %add3A_605 : vector<16xf32> to vector<16xf32>
    tpu.vector_store %arg13[%swap3A_606], %swap3A_609 {strides = array<i32>} : memref<512xf32, #tpu.memory_space<vmem>>, vector<16xf32>,
    %get3A_610 = arith.constant 464 : index
    %get3A_611 = tpu.vector_load %arg11[%get3A_610] {strides = array<i32>} : memref<512xf32, #tpu.memory_space<vmem>>, vector<16xf32>,
    %get3A_612 = vector.shape_cast %get3A_611 : vector<16xf32> to vector<16xf32>
    %get3A_613 = arith.constant 464 : index
    %get3A_614 = tpu.vector_load %arg12[%get3A_613] {strides = array<i32>} : memref<512xf32, #tpu.memory_space<vmem>>, vector<16xf32>,
    %get3A_615 = vector.shape_cast %get3A_614 : vector<16xf32> to vector<16xf32>
    %get3A_616 = arith.constant 464 : index
    %get3A_617 = tpu.vector_load %arg10[%get3A_616] {strides = array<i32>} : memref<512xf32, #tpu.memory_space<vmem>>, vector<16xf32>,
    %get3A_618 = vector.shape_cast %get3A_617 : vector<16xf32> to vector<16xf32>
    %mul3A_619 = arith.mulf %get3A_615, %get3A_618 : vector<16xf32>
    %add3A_620 = arith.addf %get3A_612, %mul3A_619 : vector<16xf32>
    %swap3A_621 = arith.constant 464 : index
    %swap3A_622 = tpu.vector_load %arg13[%swap3A_621] {strides = array<i32>} : memref<512xf32, #tpu.memory_space<vmem>>, vector<16xf32>,
    %swap3A_623 = vector.shape_cast %swap3A_622 : vector<16xf32> to vector<16xf32>
    %swap3A_624 = vector.shape_cast %add3A_620 : vector<16xf32> to vector<16xf32>
    tpu.vector_store %arg13[%swap3A_621], %swap3A_624 {strides = array<i32>} : memref<512xf32, #tpu.memory_space<vmem>>, vector<16xf32>,
    %get3A_625 = arith.constant 480 : index
    %get3A_626 = tpu.vector_load %arg11[%get3A_625] {strides = array<i32>} : memref<512xf32, #tpu.memory_space<vmem>>, vector<16xf32>,
    %get3A_627 = vector.shape_cast %get3A_626 : vector<16xf32> to vector<16xf32>
    %get3A_628 = arith.constant 480 : index
    %get3A_629 = tpu.vector_load %arg12[%get3A_628] {strides = array<i32>} : memref<512xf32, #tpu.memory_space<vmem>>, vector<16xf32>,
    %get3A_630 = vector.shape_cast %get3A_629 : vector<16xf32> to vector<16xf32>
    %get3A_631 = arith.constant 480 : index
    %get3A_632 = tpu.vector_load %arg10[%get3A_631] {strides = array<i32>} : memref<512xf32, #tpu.memory_space<vmem>>, vector<16xf32>,
    %get3A_633 = vector.shape_cast %get3A_632 : vector<16xf32> to vector<16xf32>
    %mul3A_634 = arith.mulf %get3A_630, %get3A_633 : vector<16xf32>
    %add3A_635 = arith.addf %get3A_627, %mul3A_634 : vector<16xf32>
    %swap3A_636 = arith.constant 480 : index
    %swap3A_637 = tpu.vector_load %arg13[%swap3A_636] {strides = array<i32>} : memref<512xf32, #tpu.memory_space<vmem>>, vector<16xf32>,
    %swap3A_638 = vector.shape_cast %swap3A_637 : vector<16xf32> to vector<16xf32>
    %swap3A_639 = vector.shape_cast %add3A_635 : vector<16xf32> to vector<16xf32>
    tpu.vector_store %arg13[%swap3A_636], %swap3A_639 {strides = array<i32>} : memref<512xf32, #tpu.memory_space<vmem>>, vector<16xf32>,
    %get3A_640 = arith.constant 496 : index
    %get3A_641 = tpu.vector_load %arg11[%get3A_640] {strides = array<i32>} : memref<512xf32, #tpu.memory_space<vmem>>, vector<16xf32>,
    %get3A_642 = vector.shape_cast %get3A_641 : vector<16xf32> to vector<16xf32>
    %get3A_643 = arith.constant 496 : index
    %get3A_644 = tpu.vector_load %arg12[%get3A_643] {strides = array<i32>} : memref<512xf32, #tpu.memory_space<vmem>>, vector<16xf32>,
    %get3A_645 = vector.shape_cast %get3A_644 : vector<16xf32> to vector<16xf32>
    %get3A_646 = arith.constant 496 : index
    %get3A_647 = tpu.vector_load %arg10[%get3A_646] {strides = array<i32>} : memref<512xf32, #tpu.memory_space<vmem>>, vector<16xf32>,
    %get3A_648 = vector.shape_cast %get3A_647 : vector<16xf32> to vector<16xf32>
    %mul3A_649 = arith.mulf %get3A_645, %get3A_648 : vector<16xf32>
    %add3A_650 = arith.addf %get3A_642, %mul3A_649 : vector<16xf32>
    %swap3A_651 = arith.constant 496 : index
    %swap3A_652 = tpu.vector_load %arg13[%swap3A_651] {strides = array<i32>} : memref<512xf32, #tpu.memory_space<vmem>>, vector<16xf32>,
    %swap3A_653 = vector.shape_cast %swap3A_652 : vector<16xf32> to vector<16xf32>
    %swap3A_654 = vector.shape_cast %add3A_650 : vector<16xf32> to vector<16xf32>
    tpu.vector_store %arg13[%swap3A_651], %swap3A_654 {strides = array<i32>} : memref<512xf32, #tpu.memory_space<vmem>>, vector<16xf32>,
    %add3A_655 = arith.constant 384 : i32
    %add3A_656 = arith.addi %mul3A_2, %add3A_655 : i32
    %dma_start3A_657 = arith.constant 384 : i32
    %dma_start3A_658 = tpu.memref_slice %arg13[%dma_start3A_657] : memref<512xf32, #tpu.memory_space<vmem>> -> memref<128xf32, #tpu.memory_space<vmem>>
    %dma_start3A_659 = tpu.memref_slice %arg7[%add3A_656] : memref<16384xf32, #tpu.memory_space<hbm>> -> memref<128xf32, #tpu.memory_space<hbm>>
    %dma_start3A_660 = tpu.memref_slice %arg7[%add3A_656] : memref<16384xf32, #tpu.memory_space<hbm>> -> memref<128xf32, #tpu.memory_space<hbm>>
    %dma_start3A_661 = arith.constant 384 : i32
    %dma_start3A_662 = tpu.memref_slice %arg13[%dma_start3A_661] : memref<512xf32, #tpu.memory_space<vmem>> -> memref<128xf32, #tpu.memory_space<vmem>>
    tpu.enqueue_dma source(%dma_start3A_662 : memref<128xf32, #tpu.memory_space<vmem>>) target(%dma_start3A_660 : memref<128xf32, #tpu.memory_space<hbm>>) target_semaphore(%arg16 : memref<!tpu.dma_semaphore, #tpu.memory_space<semaphore_mem>>)
    %dma_wait3A_663 = arith.constant 0 : i32
    %dma_wait3A_664 = tpu.memref_slice %arg13[%dma_wait3A_663] : memref<512xf32, #tpu.memory_space<vmem>> -> memref<128xf32, #tpu.memory_space<vmem>>
    %dma_wait3A_665 = tpu.memref_slice %arg7[%add3A_218] : memref<16384xf32, #tpu.memory_space<hbm>> -> memref<128xf32, #tpu.memory_space<hbm>>
    %dma_wait3A_666 = tpu.memref_slice %arg7[%add3A_218] : memref<16384xf32, #tpu.memory_space<hbm>> -> memref<128xf32, #tpu.memory_space<hbm>>
    %dma_wait3A_667 = arith.constant 0 : i32
    %dma_wait3A_668 = tpu.memref_slice %arg13[%dma_wait3A_667] : memref<512xf32, #tpu.memory_space<vmem>> -> memref<128xf32, #tpu.memory_space<vmem>>
    tpu.wait_dma2 semaphore(%arg16 : memref<!tpu.dma_semaphore, #tpu.memory_space<semaphore_mem>>) src(%dma_wait3A_668 : memref<128xf32, #tpu.memory_space<vmem>>) dst(%dma_wait3A_666 : memref<128xf32, #tpu.memory_space<hbm>>)
    %dma_wait3A_669 = arith.constant 128 : i32
    %dma_wait3A_670 = tpu.memref_slice %arg13[%dma_wait3A_669] : memref<512xf32, #tpu.memory_space<vmem>> -> memref<128xf32, #tpu.memory_space<vmem>>
    %dma_wait3A_671 = tpu.memref_slice %arg7[%add3A_364] : memref<16384xf32, #tpu.memory_space<hbm>> -> memref<128xf32, #tpu.memory_space<hbm>>
    %dma_wait3A_672 = tpu.memref_slice %arg7[%add3A_364] : memref<16384xf32, #tpu.memory_space<hbm>> -> memref<128xf32, #tpu.memory_space<hbm>>
    %dma_wait3A_673 = arith.constant 128 : i32
    %dma_wait3A_674 = tpu.memref_slice %arg13[%dma_wait3A_673] : memref<512xf32, #tpu.memory_space<vmem>> -> memref<128xf32, #tpu.memory_space<vmem>>
    tpu.wait_dma2 semaphore(%arg16 : memref<!tpu.dma_semaphore, #tpu.memory_space<semaphore_mem>>) src(%dma_wait3A_674 : memref<128xf32, #tpu.memory_space<vmem>>) dst(%dma_wait3A_672 : memref<128xf32, #tpu.memory_space<hbm>>)
    %dma_wait3A_675 = arith.constant 256 : i32
    %dma_wait3A_676 = tpu.memref_slice %arg13[%dma_wait3A_675] : memref<512xf32, #tpu.memory_space<vmem>> -> memref<128xf32, #tpu.memory_space<vmem>>
    %dma_wait3A_677 = tpu.memref_slice %arg7[%add3A_510] : memref<16384xf32, #tpu.memory_space<hbm>> -> memref<128xf32, #tpu.memory_space<hbm>>
    %dma_wait3A_678 = tpu.memref_slice %arg7[%add3A_510] : memref<16384xf32, #tpu.memory_space<hbm>> -> memref<128xf32, #tpu.memory_space<hbm>>
    %dma_wait3A_679 = arith.constant 256 : i32
    %dma_wait3A_680 = tpu.memref_slice %arg13[%dma_wait3A_679] : memref<512xf32, #tpu.memory_space<vmem>> -> memref<128xf32, #tpu.memory_space<vmem>>
    tpu.wait_dma2 semaphore(%arg16 : memref<!tpu.dma_semaphore, #tpu.memory_space<semaphore_mem>>) src(%dma_wait3A_680 : memref<128xf32, #tpu.memory_space<vmem>>) dst(%dma_wait3A_678 : memref<128xf32, #tpu.memory_space<hbm>>)
    %dma_wait3A_681 = arith.constant 384 : i32
    %dma_wait3A_682 = tpu.memref_slice %arg13[%dma_wait3A_681] : memref<512xf32, #tpu.memory_space<vmem>> -> memref<128xf32, #tpu.memory_space<vmem>>
    %dma_wait3A_683 = tpu.memref_slice %arg7[%add3A_656] : memref<16384xf32, #tpu.memory_space<hbm>> -> memref<128xf32, #tpu.memory_space<hbm>>
    %dma_wait3A_684 = tpu.memref_slice %arg7[%add3A_656] : memref<16384xf32, #tpu.memory_space<hbm>> -> memref<128xf32, #tpu.memory_space<hbm>>
    %dma_wait3A_685 = arith.constant 384 : i32
    %dma_wait3A_686 = tpu.memref_slice %arg13[%dma_wait3A_685] : memref<512xf32, #tpu.memory_space<vmem>> -> memref<128xf32, #tpu.memory_space<vmem>>
    tpu.wait_dma2 semaphore(%arg16 : memref<!tpu.dma_semaphore, #tpu.memory_space<semaphore_mem>>) src(%dma_wait3A_686 : memref<128xf32, #tpu.memory_space<vmem>>) dst(%dma_wait3A_684 : memref<128xf32, #tpu.memory_space<hbm>>)
    return
  }
}

</mosaic_0001>

<sc_bundles>
// kernel: kernel.3.cloned.1.call-start
scs
__scs_entry_jumppad:
0x0: {  	(pc) =	sbr.rel $0x88, $3  }
0x1: {  	(tag) =	ssettag $0x0;
	lr =	simm.s32 $0x1  }
0x2: {  	[smem:$0x3F9C] =	sst lr;
	_ =	strace $0xD0000000  }
0x3: {  	_ = 	snop  }
0x4: {  	_ = 	snop  }
0x5: {  	_ = 	snop  }
0x6: {  	_ = 	snop  }
0x7: {  	_ = 	snop  }
__scs_overlays_trampoline_lowered:
0x8: {  	[smem:$0x3FAB] =	sst s0  }
0x9: {  	[smem:$0x3FAC] =	sst s1  }
0xa: {  	[smem:$0x3FAD] =	sst s2  }
0xb: {  	[smem:$0x3FAE] =	sst s3  }
0xc: {  	[smem:$0x3FAF] =	sst s4  }
0xd: {  	[smem:$0x3FB0] =	sst s5  }
0xe: {  	[smem:$0x3FB1] =	sst s6  }
0xf: {  	[smem:$0x3FB2] =	sst s7  }
0x10: {  	[smem:$0x3FB3] =	sst s8  }
0x11: {  	[smem:$0x3FB4] =	sst s9;
	s0 =	simm.s32 @!p0 $0x0  }
0x12: {  	s1 =	sld [smem:$0x3F9A];
	s0 =	simm.s32 @p0 $0x1  }
0x13: {  	[smem:$0x3FB5] =	sst s0;
	s0 =	simm.s32 @!p1 $0x0  }
0x14: {  	s2 =	sld [smem:$0x3F99];
	s0 =	simm.s32 @p1 $0x1  }
0x15: {  	[smem:$0x3FB6] =	sst s0;
	s0 =	simm.s32 @!p2 $0x0  }
0x16: {  	s3 =	sld [smem:$0x3FDB];
	s0 =	simm.s32 @p2 $0x1  }
0x17: {  	s4 =	simm.s32 $0x1BF5;
	[smem:$0x3FB8] =	sst s0  }
0x18: {  	s0 =	sld [smem:$0x3F9B];
	_ =	swait.ge [sflag:s4], $0x0  }
0x19: {  	s7 =	sld [smem:$0x3F9C]  }
0x1a: {  	s8 =	sadd.s32 $0xFFFFE003, lr  }
0x1b: {  	s9 =	sadd.s32 $0xFFFFFEF7, lr;
	s5 =	simm.s32 $0xFFFFFFFF;
	p2 =	slt.u32 s8, $0xFFFFF086  }
0x1c: {  	p1 =	slt.u32 s9, $0xF7A;
	s5 =	simm.s32 @!p2 $0x0  }
0x1d: {  	s5 =	simm.s32 @p1 $0x1;
	p0 =	seq.s32 s7, s2  }
0x1e: {  	s7 =	smul.u32 @!p0 $0xF7A, s2;
	p2 =	seq.s32 @!p0 s5, $0x0  }
0x1f: {  	s9 =	smul.u32 $0xF7A, s1;
	s8 =	simm.s32 @!p0 $0x1BF5;
	p2 =	por !p2, p0  }
0x20: {  	[sflag:s8] =	ssyncset.s32 @!p0 $0xFFFFF086;
	s6 =	sadd.s32 @!p0 s3, s7;
	s7 =	simm.s32 @!p0 $0x108  }
0x21: {  	s3 =	sadd.s32 s3, s9;
	s6 =	sadd.s32 @!p0 $0x88, s6;
	s7 =	simm.s32 @p2 $0x1082  }
0x22: {  	[simem:s7], [sflag:s8] =	dma.local @!p0 [hbm:s6], $0xF7A  }
0x23: {  	s9 =	sor.u32 $0xD0000000, s2;
	s6 =	simm.s32 $0x108;
	_ =	swait.ge @!p0 [sflag:s8], $0x0  }
0x24: {  	s3 =	sadd.s32 $0x88, s3;
	s6 =	simm.s32 @!p1 $0x1082;
	[sflag:s4] =	ssyncset.s32 $0xFFFFF086  }
0x25: {  	[simem:s6], [sflag:s4] =	dma.local [hbm:s3], $0xF7A  }
0x26: {  	[smem:$0x3F9C] =	sst s1;
	(tag) =	ssettag s2;
	_ =	strace s9  }
0x27: {  	s1 =	sld [smem:$0x3FAC]  }
0x28: {  	s2 =	sld [smem:$0x3FAD]  }
0x29: {  	s4 =	sld [smem:$0x3FAF]  }
0x2a: {  	p0 =	seq.s32 s5, $0x0;
	s5 =	sld [smem:$0x3FB0]  }
0x2b: {  	s6 =	sld [smem:$0x3FB1]  }
0x2c: {  	s7 =	sld [smem:$0x3FB2]  }
0x2d: {  	s3 =	simm.s32 $0x108;
	s8 =	sld [smem:$0x3FB3]  }
0x2e: {  	s3 =	simm.s32 @!p0 $0x1082;
	s9 =	sld [smem:$0x3FB4]  }
0x2f: {  	lr =	sadd.s32 s0, s3;
	s0 =	sld [smem:$0x3FAB]  }
0x30: {  	s3 =	sld [smem:$0x3FAE]  }
0x31: {  	[smem:$0x3FB7] =	sst s10  }
0x32: {  	s10 =	sld [smem:$0x3FB5];
	_ =	sdelay $0x3  }
0x33: {  	p0 =	seq.s32 s10, $0x1;
	s10 =	sld [smem:$0x3FB7];
	_ =	sdelay $0x3  }
0x34: {  	[smem:$0x3FB7] =	sst s10  }
0x35: {  	s10 =	sld [smem:$0x3FB6];
	_ =	sdelay $0x3  }
0x36: {  	p1 =	seq.s32 s10, $0x1;
	s10 =	sld [smem:$0x3FB7];
	_ =	sdelay $0x3  }
0x37: {  	[smem:$0x3FB7] =	sst s10  }
0x38: {  	s10 =	sld [smem:$0x3FB8]  }
0x39: {  	_ = 	snop;
	(pc) =	sbr.ind lr, $3  }
0x3a: {  	_ = 	snop  }
0x3b: {  	_ = 	snop  }
0x3c: {  	p2 =	seq.s32 s10, $0x1;
	s10 =	sld [smem:$0x3FB7]  }
0x3d: {  	_ =	shalt  }
0x3e: {  	_ =	shalt  }
0x3f: {  	_ =	shalt  }
0x40: {  	_ =	shalt  }
0x41: {  	_ =	shalt  }
0x42: {  	_ =	shalt  }
0x43: {  	_ =	shalt  }
0x44: {  	_ =	shalt  }
0x45: {  	_ =	shalt  }
0x46: {  	_ =	shalt  }
0x47: {  	_ =	shalt  }
0x48: {  	_ =	shalt  }
0x49: {  	_ =	shalt  }
0x4a: {  	_ =	shalt  }
0x4b: {  	_ =	shalt  }
0x4c: {  	_ =	shalt  }
0x4d: {  	_ =	shalt  }
0x4e: {  	_ =	shalt  }
0x4f: {  	_ =	shalt  }
0x50: {  	_ =	shalt  }
0x51: {  	_ =	shalt  }
0x52: {  	_ =	shalt  }
0x53: {  	_ =	shalt  }
0x54: {  	_ =	shalt  }
0x55: {  	_ =	shalt  }
0x56: {  	_ =	shalt  }
0x57: {  	_ =	shalt  }
0x58: {  	_ =	shalt  }
0x59: {  	_ =	shalt  }
0x5a: {  	_ =	shalt  }
0x5b: {  	_ =	shalt  }
0x5c: {  	_ =	shalt  }
0x5d: {  	_ =	shalt  }
0x5e: {  	_ =	shalt  }
0x5f: {  	_ =	shalt  }
0x60: {  	_ =	shalt  }
0x61: {  	_ =	shalt  }
0x62: {  	_ =	shalt  }
0x63: {  	_ =	shalt  }
0x64: {  	_ =	shalt  }
0x65: {  	_ =	shalt  }
0x66: {  	_ =	shalt  }
0x67: {  	_ =	shalt  }
0x68: {  	_ =	shalt  }
0x69: {  	_ =	shalt  }
0x6a: {  	_ =	shalt  }
0x6b: {  	_ =	shalt  }
0x6c: {  	_ =	shalt  }
0x6d: {  	_ =	shalt  }
0x6e: {  	_ =	shalt  }
0x6f: {  	_ =	shalt  }
0x70: {  	_ =	shalt  }
0x71: {  	_ =	shalt  }
0x72: {  	_ =	shalt  }
0x73: {  	_ =	shalt  }
0x74: {  	_ =	shalt  }
0x75: {  	_ =	shalt  }
0x76: {  	_ =	shalt  }
0x77: {  	_ =	shalt  }
0x78: {  	_ =	shalt  }
0x79: {  	_ =	shalt  }
0x7a: {  	_ =	shalt  }
0x7b: {  	_ =	shalt  }
0x7c: {  	_ =	shalt  }
0x7d: {  	_ =	shalt  }
0x7e: {  	_ =	shalt  }
0x7f: {  	_ =	shalt  }
0x80: {  	_ =	shalt  }
0x81: {  	_ =	shalt  }
0x82: {  	_ =	shalt  }
0x83: {  	_ =	shalt  }
0x84: {  	_ =	shalt  }
0x85: {  	_ =	shalt  }
0x86: {  	_ =	shalt  }
0x87: {  	_ =	shalt  }
.Lfunc_end0:
.L_simem_size_0:
called_computation_lowered:
.L_overlay_start_0:
0x88: {  	s2 =	sld [smem:$0x3FD9]  }
0x89: {  	s3 =	sld [smem:$0x3FFE];
	_ =	sdelay $0x1  }
0x8a: {  	s1 =	srdreg.scid  }
0x8b: {  	s0 =	sand.u32 $0x1, s1  }
0x8c: {  	s18 =	sshll.u32 s0, $0xA;
	s2 =	sadd.s32 s3, s2  }
0x8d: {  	s2 =	sadd.s32 s2, s18  }
0x8e: {  	[smem:$0x3FC3] =	sst s2  }
0x8f: {  	_ = 	snop  }
0x90: {  	s2 =	sld [smem:$0x3FC9]  }
0x91: {  	s19 =	sld [smem:$0x3FC8]  }
0x92: {  	s4 =	sld [smem:$0x3FC7]  }
0x93: {  	s5 =	sld [smem:$0x3FC6]  }
0x94: {  	s6 =	sld [smem:$0x3FC5]  }
0x95: {  	s7 =	sld [smem:$0x3FD0];
	(tm) =	ssettm $0x1  }
0x96: {  	s8 =	sld [smem:$0x3FFB];
	_ =	sdelay $0x3  }
0x97: {  	_ =	strace s8  }
0x98: {  	s8 =	sld [smem:$0x3FFC];
	_ =	sdelay $0x3  }
0x99: {  	_ =	strace s8  }
0x9a: {  	s8 =	sld [smem:$0x3FFD];
	_ =	sdelay $0x3  }
0x9b: {  	_ =	strace s8  }
0x9c: {  	_ =	strace $0x8FFFFFFF  }
0x9d: {  	s20 =	sld [smem:$0x3FDB];
	_ =	sdelay $0x1  }
0x9e: {  	s9 =	simm.s32 $_scs_section_size  }
0x9f: {  	s10 =	simm.s32 $_size__tile_overlayer_lowered;
	s11 =	simm.s32 $_tile_overlayer_lowered  }
0xa0: {  	s23 =	simm.s32 $0x1BFF;
	s22 =	sshll.u32 s11, $0x1;
	s8 =	sadd.s32 s9, s20  }
0xa1: {  	s12 =	simm.s32 $0x0;
	s21 =	sshll.u32 s10, $0x1;
	s10 =	sadd.s32 s22, s8  }
0xa2: {  	[timem:s12], [sflag:s23] =	dma.local [hbm:s10], s21  }
0xa3: {  	_ =	swait.ge [sflag:s23], s21  }
0xa4: {  	s9 =	ssub.s32 $0x0, s21;
	[sflag:s23] =	ssyncset.done $0x0  }
0xa5: {  	[sflag:s23] =	ssyncadd.s32 s9;
	_ =	sdelay $0x1  }
0xa6: {  	s24 =	simm.s32 $0x1B8B  }
0xa7: {  	_ =	swait.ge [sflag:s24], $0x1  }
0xa8: {  	[sflag:s24] =	ssyncset.done $0x0  }
0xa9: {  	s25 =	simm.s32 $0x1B8E;
	[sflag:s24] =	ssyncadd.s32 $0xFFFFFFFF  }
0xaa: {  	s26 =	simm.s32 $execute0_lowered;
	[smem:$0x3FD2] =	sst s25  }
0xab: {  	s9 =	sshll.u32 s26, $0x1;
	_ =	strace $0x80000046;
	[dreg:$0x1] =	wrdreg $0xFFFFFFFF  }
0xac: {  	s28 =	simm.s32 $_size_execute0_lowered;
	s8 =	sadd.s32 s8, s9;
	[dreg:$0x0] =	wrdreg $0x0  }
0xad: {  	s9 =	sshll.u32 s28, $0x1;
	[dreg:$0x2] =	wrdreg s8  }
0xae: {  	[dreg:$0x3] =	wrdreg s9  }
0xaf: {  	[dreg:$0x4] =	wrdreg $0xC0  }
0xb0: {  	_ =	task [dreg:s12], $0x5FFFF  }
0xb1: {  	[dreg:$0x1] =	wrdreg $0xFFFFFFFF  }
0xb2: {  	[dreg:$0x0] =	wrdreg $0x60  }
0xb3: {  	[dreg:$0x2] =	wrdreg s2  }
0xb4: {  	[dreg:$0x3] =	wrdreg s19  }
0xb5: {  	[dreg:$0x4] =	wrdreg s4  }
0xb6: {  	[dreg:$0x5] =	wrdreg s5  }
0xb7: {  	[dreg:$0x6] =	wrdreg s6  }
0xb8: {  	[dreg:$0x7] =	wrdreg s7  }
0xb9: {  	[dreg:$0x8] =	wrdreg $0x9  }
0xba: {  	_ =	task.clear_ibuf [dreg:s12], $0x9FFFF;
	_ =	strace $0x90000046  }
0xbb: {  	s29 =	simm.s32 $0x9;
	_ =	strace $0x80000048  }
0xbc: {  	_ =	swait.ge [sflag:s29], $0x1  }
0xbd: {  	[sflag:s29] =	ssyncadd.s32 $0xFFFFFFFF  }
0xbe: {  	_ =	strace $0x90000048  }
0xbf: {  	_ =	sfence  }
0xc0: {  	s30 =	sld [smem:$0x0];
	_ =	sdelay $0x2  }
0xc1: {  	s31 =	sshll.u32 s1, $0xD;
	s1 =	sshrl.u32 s1, $0x2  }
0xc2: {  	s3 =	sand.u32 $0x4000, s31;
	s1 =	sadd.s32 s1, s30  }
0xc3: {  	s0 =	sor.u32 s3, s0;
	s1 =	sshll.u32 s1, $0x11  }
0xc4: {  	s0 =	sor.u32 s1, s0  }
0xc5: {  	s0 =	sadd.s32 $0x8F2B, s0  }
0xc6: {  	[sflag:s0] =	ssyncadd.remote.s32 $0x1  }
0xc7: {  	_ =	sfence.sel $0xFFFF  }
0xc8: {  	[dreg:$0x0] =	wrdreg $0xFFFFFFFF;
	(pc) =	sbr.abs _section_cstart, $3  }
0xc9: {  	[dreg:$0x1] =	wrdreg $0xFFFFFFFF  }
0xca: {  	_ =	task.clear_ibuf [dreg:s12], $0x2FFFF;
	_ =	strace $0x9FFFFFFF  }
0xcb: {  	(tm) =	ssettm $0x7FFFFFFF  }
tec
execute0_lowered:
.L_overlay_start_1:
0x0: {  	(tag) =	ssettag $0x1  }
0x1: {  	s0 =	rddreg [dreg:$0x0]  }
0x2: {  	s6 =	rddreg [dreg:$0x1]  }
0x3: {  	s1 =	rddreg [dreg:$0x2]  }
0x4: {  	s2 =	rddreg [dreg:$0x3]  }
0x5: {  	s4 =	rddreg [dreg:$0x4]  }
0x6: {  	s7 =	rddreg [dreg:$0x5]  }
0x7: {  	s5 =	srdreg.scid;
	s3 =	stileid.u32  }
0x8: {  	s21 =	simm.s32 $0x400;
	s22 =	simm.s32 $0x600;
	s23 =	simm.s32 $0x800  }
0x9: {  	s24 =	simm.s32 $0x480;
	s25 =	simm.s32 $0x680;
	s11 =	simm.s32 $0x80  }
0xa: {  	s26 =	simm.s32 $0x880;
	s8 =	sand.u32 $0x1, s5;
	s5 =	simm.s32 $0x0  }
0xb: {  	s12 =	simm.s32 $0x280;
	s14 =	simm.s32 $0x500;
	[smem:$0x7FF] =	sst s5  }
0xc: {  	s15 =	simm.s32 $0x300;
	_ =	strace $0x80000047;
	[dreg:$0xc] =	wrdreg s21  }
0xd: {  	s28 =	simm.s32 $0x6;
	s29 =	simm.s32 $0xB00;
	[dreg:$0xd] =	wrdreg s22  }
0xe: {  	s30 =	simm.s32 $0x7;
	s31 =	simm.s32 $0xB80;
	[dreg:$0xe] =	wrdreg s23  }
0xf: {  	s9 =	sshll.u32 s3, $0x7;
	s10 =	sshll.u32 s8, $0x6;
	[dreg:$0xf] =	wrdreg s24  }
0x10: {  	s18 =	ssub.s32 $0x2, s8;
	s9 =	sor.u32 s10, s9;
	[dreg:$0x10] =	wrdreg s25  }
0x11: {  	s8 =	sshrl.u32 s18, $0x1;
	s10 =	simm.s32 $0x2;
	[dreg:$0x11] =	wrdreg s26  }
0x12: {  	s21 =	simm.s32 $0x780;
	s22 =	simm.s32 $0x980;
	s23 =	simm.s32 $0x4  }
0x13: {  	s24 =	simm.s32 $0xA00;
	s25 =	simm.s32 $0x5;
	s26 =	simm.s32 $0xA80  }
0x14: {  	s0 =	sadd.s32 s0, s9;
	s16 =	sadd.s32 s6, s9;
	s6 =	sadd.s32 s7, s9  }
0x15: {  	s7 =	ssub.s32 s18, s8;
	s8 =	simm.s32 $0x200;
	[dreg:$0x7] =	wrdreg s0  }
0x16: {  	s9 =	simm.s32 $0x1;
	[dreg:$0x8] =	wrdreg s16;
	s17 =	sadd.s32 $0x10, s6  }
0x17: {  	s18 =	simm.s32 $0x180;
	s19 =	sadd.s32 $0x20, s6;
	[dreg:$0x9] =	wrdreg s17  }
0x18: {  	s20 =	sadd.s32 $0x30, s6;
	s7 =	smax.u32 s7, $0x1;
	[dreg:$0xa] =	wrdreg s19  }
0x19: {  	s16 =	simm.s32 $0x700;
	s0 =	simm.s32 $0x3;
	[dreg:$0xb] =	wrdreg s20  }
0x1a: {  	s17 =	simm.s32 $0x900;
	s19 =	simm.s32 $0x580;
	s20 =	simm.s32 $0x380  }
.LBB2_1:
0x1b: {  	s3 =	rddreg [dreg:$0x7]  }
0x1c: {  	[tilespmem:s5], [sflag:$0x1] =	stream.linear.gather [hbm4b:s3+s5], $0x200, $0x38;
	[tilespmem:$0xC00] =	vst v63  }
0x1d: {  	s13 =	rddreg [dreg:$0x8]  }
0x1e: {  	[tilespmem:s8], [sflag:$0x2] =	stream.linear.gather [hbm4b:s13+s5], $0x200, $0x38;
	[tilespmem:$0xC00] =	vst v63  }
0x1f: {  	_ =	swait.ge [sflag:s9], $0x200  }
0x20: {  	[sflag:s9] =	ssyncset.done $0x0  }
0x21: {  	[sflag:s9] =	ssyncadd.s32 $0xFFFFFE00  }
0x22: {  	_ =	swait.ge [sflag:s10], $0x200  }
0x23: {  	[sflag:s10] =	ssyncset.done $0x0  }
0x24: {  	s3 =	rddreg [dreg:$0xc];
	[sflag:s10] =	ssyncadd.s32 $0xFFFFFE00  }
0x25: {  	[tilespmem:s3], [sflag:$0x4] =	stream.indirect.gather [hbm4b:s1+s11], $0x1, s5, s11, $0xb8;
	[tilespmem:$0xC00] =	vst v63  }
0x26: {  	s13 =	rddreg [dreg:$0xd]  }
0x27: {  	[tilespmem:s13], [sflag:$0x4] =	stream.indirect.gather [hbm4b:s2+s11], $0x1, s8, s11, $0xb8;
	[tilespmem:$0xC00] =	vst v63  }
0x28: {  	s3 =	rddreg [dreg:$0xe]  }
0x29: {  	[tilespmem:s3], [sflag:$0x4] =	stream.indirect.gather [hbm4b:s4+s11], $0x1, s8, s11, $0xb8;
	[tilespmem:$0xC00] =	vst v63  }
0x2a: {  	s13 =	rddreg [dreg:$0xf]  }
0x2b: {  	[tilespmem:s13], [sflag:$0x5] =	stream.indirect.gather [hbm4b:s1+s11], $0x1, s11, s11, $0xb8;
	[tilespmem:$0xC00] =	vst v63  }
0x2c: {  	s3 =	rddreg [dreg:$0x10]  }
0x2d: {  	[tilespmem:s3], [sflag:$0x5] =	stream.indirect.gather [hbm4b:s2+s11], $0x1, s12, s11, $0xb8;
	[tilespmem:$0xC00] =	vst v63  }
0x2e: {  	s13 =	rddreg [dreg:$0x11]  }
0x2f: {  	[tilespmem:s13], [sflag:$0x5] =	stream.indirect.gather [hbm4b:s4+s11], $0x1, s12, s11, $0xb8;
	[tilespmem:$0xC00] =	vst v63  }
0x30: {  	s13 =	simm.s32 $0x100  }
0x31: {  	[tilespmem:s14], [sflag:$0x6] =	stream.indirect.gather [hbm4b:s1+s11], $0x1, s13, s11, $0xb8;
	[tilespmem:$0xC00] =	vst v63  }
0x32: {  	_ = 	snop  }
0x33: {  	[tilespmem:s16], [sflag:$0x6] =	stream.indirect.gather [hbm4b:s2+s11], $0x1, s15, s11, $0xb8;
	[tilespmem:$0xC00] =	vst v63  }
0x34: {  	_ = 	snop  }
0x35: {  	[tilespmem:s17], [sflag:$0x6] =	stream.indirect.gather [hbm4b:s4+s11], $0x1, s15, s11, $0xb8;
	[tilespmem:$0xC00] =	vst v63  }
0x36: {  	_ = 	snop  }
0x37: {  	[tilespmem:s19], [sflag:$0x7] =	stream.indirect.gather [hbm4b:s1+s11], $0x1, s18, s11, $0xb8;
	[tilespmem:$0xC00] =	vst v63  }
0x38: {  	_ = 	snop  }
0x39: {  	[tilespmem:s21], [sflag:$0x7] =	stream.indirect.gather [hbm4b:s2+s11], $0x1, s20, s11, $0xb8;
	[tilespmem:$0xC00] =	vst v63  }
0x3a: {  	_ = 	snop  }
0x3b: {  	[tilespmem:s22], [sflag:$0x7] =	stream.indirect.gather [hbm4b:s4+s11], $0x1, s20, s11, $0xb8;
	[tilespmem:$0xC00] =	vst v63  }
0x3c: {  	_ =	swait.ge [sflag:s23], $0x80  }
0x3d: {  	[sflag:s23] =	ssyncset.done $0x0  }
0x3e: {  	[sflag:s23] =	ssyncadd.s32 $0xFFFFFF80  }
0x3f: {  	_ =	swait.ge [sflag:s23], $0x80  }
0x40: {  	[sflag:s23] =	ssyncset.done $0x0  }
0x41: {  	[sflag:s23] =	ssyncadd.s32 $0xFFFFFF80  }
0x42: {  	_ =	swait.ge [sflag:s23], $0x80  }
0x43: {  	[sflag:s23] =	ssyncset.done $0x0  }
0x44: {  	[sflag:s23] =	ssyncadd.s32 $0xFFFFFF80  }
0x45: {  	v0 =	vld [tilespmem:$0x600]  }
0x46: {  	v1 =	vld [tilespmem:$0x800]  }
0x47: {  	v2 =	vld [tilespmem:$0x400]  }
0x48: {  	v3 =	vld [tilespmem:$0x610]  }
0x49: {  	v4 =	vld [tilespmem:$0x810]  }
0x4a: {  	v5 =	vld [tilespmem:$0x410]  }
0x4b: {  	v6 =	vld [tilespmem:$0x620]  }
0x4c: {  	v7 =	vld [tilespmem:$0x820]  }
0x4d: {  	v8 =	vld [tilespmem:$0x420]  }
0x4e: {  	v9 =	vld [tilespmem:$0x630]  }
0x4f: {  	v10 =	vld [tilespmem:$0x830]  }
0x50: {  	v11 =	vld [tilespmem:$0x430]  }
0x51: {  	v12 =	vld [tilespmem:$0x640]  }
0x52: {  	v13 =	vld [tilespmem:$0x840]  }
0x53: {  	v14 =	vld [tilespmem:$0x440]  }
0x54: {  	v15 =	vld [tilespmem:$0x650]  }
0x55: {  	v16 =	vld [tilespmem:$0x850]  }
0x56: {  	v17 =	vld [tilespmem:$0x450]  }
0x57: {  	v18 =	vld [tilespmem:$0x860]  }
0x58: {  	v29 =	vld [tilespmem:$0x460];
	v1 =	vmul.f32 v2, v1  }
0x59: {  	v30 =	vld [tilespmem:$0x870];
	v4 =	vmul.f32 v5, v4  }
0x5a: {  	v32 =	vld [tilespmem:$0x470];
	v31 =	vmul.f32 v8, v7;
	v0 =	vadd.f32 v1, v0  }
0x5b: {  	v34 =	vld [tilespmem:$0x660];
	v33 =	vmul.f32 v11, v10;
	v3 =	vadd.f32 v4, v3  }
0x5c: {  	v37 =	vld [tilespmem:$0x670];
	v36 =	vmul.f32 v14, v13;
	v35 =	vadd.f32 v31, v6;
	[tilespmem:$0xA00] =	vst v0  }
0x5d: {  	v39 =	vmul.f32 v17, v16;
	v38 =	vadd.f32 v33, v9;
	[tilespmem:$0xA10] =	vst v3  }
0x5e: {  	v41 =	vmul.f32 v29, v18;
	v40 =	vadd.f32 v36, v12;
	[tilespmem:$0xA20] =	vst v35  }
0x5f: {  	v43 =	vmul.f32 v32, v30;
	v42 =	vadd.f32 v39, v15;
	[tilespmem:$0xA30] =	vst v38  }
0x60: {  	v44 =	vadd.f32 v41, v34;
	[tilespmem:$0xA40] =	vst v40  }
0x61: {  	v45 =	vadd.f32 v43, v37;
	[tilespmem:$0xA50] =	vst v42  }
0x62: {  	[tilespmem:$0xA60] =	vst v44  }
0x63: {  	[tilespmem:$0xA70] =	vst v45  }
0x64: {  	[hbm4b:s6+s5] =	stream.linear.scatter [tilespmem:s24], [sflag:$0x3], $0x80, $0x38;
	[tilespmem:$0xC00] =	vst v63  }
0x65: {  	_ =	swait.ge [sflag:s25], $0x80  }
0x66: {  	[sflag:s25] =	ssyncset.done $0x0  }
0x67: {  	[sflag:s25] =	ssyncadd.s32 $0xFFFFFF80  }
0x68: {  	_ =	swait.ge [sflag:s25], $0x80  }
0x69: {  	[sflag:s25] =	ssyncset.done $0x0  }
0x6a: {  	[sflag:s25] =	ssyncadd.s32 $0xFFFFFF80  }
0x6b: {  	_ =	swait.ge [sflag:s25], $0x80  }
0x6c: {  	[sflag:s25] =	ssyncset.done $0x0  }
0x6d: {  	[sflag:s25] =	ssyncadd.s32 $0xFFFFFF80  }
0x6e: {  	v46 =	vld [tilespmem:$0x680]  }
0x6f: {  	v47 =	vld [tilespmem:$0x880]  }
0x70: {  	v48 =	vld [tilespmem:$0x480]  }
0x71: {  	v49 =	vld [tilespmem:$0x690]  }
0x72: {  	v50 =	vld [tilespmem:$0x890]  }
0x73: {  	v51 =	vld [tilespmem:$0x490]  }
0x74: {  	v52 =	vld [tilespmem:$0x6A0]  }
0x75: {  	v53 =	vld [tilespmem:$0x8A0]  }
0x76: {  	v54 =	vld [tilespmem:$0x4A0]  }
0x77: {  	v55 =	vld [tilespmem:$0x6B0]  }
0x78: {  	v56 =	vld [tilespmem:$0x8B0]  }
0x79: {  	v57 =	vld [tilespmem:$0x4B0]  }
0x7a: {  	v58 =	vld [tilespmem:$0x6C0]  }
0x7b: {  	v59 =	vld [tilespmem:$0x8C0]  }
0x7c: {  	v60 =	vld [tilespmem:$0x4C0]  }
0x7d: {  	v61 =	vld [tilespmem:$0x6D0]  }
0x7e: {  	v62 =	vld [tilespmem:$0x8D0]  }
0x7f: {  	v63 =	vld [tilespmem:$0x4D0]  }
0x80: {  	v21 =	vld [tilespmem:$0x8E0]  }
0x81: {  	v22 =	vld [tilespmem:$0x4E0];
	v1 =	vmul.f32 v48, v47  }
0x82: {  	v23 =	vld [tilespmem:$0x8F0];
	v4 =	vmul.f32 v51, v50  }
0x83: {  	v25 =	vld [tilespmem:$0x4F0];
	v24 =	vmul.f32 v54, v53;
	v0 =	vadd.f32 v1, v46  }
0x84: {  	v27 =	vld [tilespmem:$0x6E0];
	v26 =	vmul.f32 v57, v56;
	v3 =	vadd.f32 v4, v49  }
0x85: {  	v30 =	vld [tilespmem:$0x6F0];
	v29 =	vmul.f32 v60, v59;
	v28 =	vadd.f32 v24, v52;
	[tilespmem:$0xA80] =	vst v0  }
0x86: {  	v32 =	vmul.f32 v63, v62;
	v31 =	vadd.f32 v26, v55;
	[tilespmem:$0xA90] =	vst v3  }
0x87: {  	v34 =	vmul.f32 v22, v21;
	v33 =	vadd.f32 v29, v58;
	[tilespmem:$0xAA0] =	vst v28  }
0x88: {  	v36 =	vmul.f32 v25, v23;
	v35 =	vadd.f32 v32, v61;
	[tilespmem:$0xAB0] =	vst v31  }
0x89: {  	v37 =	vadd.f32 v34, v27;
	[tilespmem:$0xAC0] =	vst v33  }
0x8a: {  	v38 =	vadd.f32 v36, v30;
	[tilespmem:$0xAD0] =	vst v35  }
0x8b: {  	[tilespmem:$0xAE0] =	vst v37  }
0x8c: {  	s13 =	rddreg [dreg:$0x9];
	[tilespmem:$0xAF0] =	vst v38  }
0x8d: {  	[hbm4b:s13+s5] =	stream.linear.scatter [tilespmem:s26], [sflag:$0x3], $0x80, $0x38;
	[tilespmem:$0xC00] =	vst v63  }
0x8e: {  	_ =	swait.ge [sflag:s28], $0x80  }
0x8f: {  	[sflag:s28] =	ssyncset.done $0x0  }
0x90: {  	[sflag:s28] =	ssyncadd.s32 $0xFFFFFF80  }
0x91: {  	_ =	swait.ge [sflag:s28], $0x80  }
0x92: {  	[sflag:s28] =	ssyncset.done $0x0  }
0x93: {  	[sflag:s28] =	ssyncadd.s32 $0xFFFFFF80  }
0x94: {  	_ =	swait.ge [sflag:s28], $0x80  }
0x95: {  	[sflag:s28] =	ssyncset.done $0x0  }
0x96: {  	[sflag:s28] =	ssyncadd.s32 $0xFFFFFF80  }
0x97: {  	v39 =	vld [tilespmem:$0x700]  }
0x98: {  	v40 =	vld [tilespmem:$0x900]  }
0x99: {  	v41 =	vld [tilespmem:$0x500]  }
0x9a: {  	v42 =	vld [tilespmem:$0x710]  }
0x9b: {  	v43 =	vld [tilespmem:$0x910]  }
0x9c: {  	v44 =	vld [tilespmem:$0x510]  }
0x9d: {  	v45 =	vld [tilespmem:$0x720]  }
0x9e: {  	v46 =	vld [tilespmem:$0x920]  }
0x9f: {  	v47 =	vld [tilespmem:$0x520]  }
0xa0: {  	v48 =	vld [tilespmem:$0x730]  }
0xa1: {  	v49 =	vld [tilespmem:$0x930]  }
0xa2: {  	v50 =	vld [tilespmem:$0x530]  }
0xa3: {  	v51 =	vld [tilespmem:$0x740]  }
0xa4: {  	v52 =	vld [tilespmem:$0x940]  }
0xa5: {  	v53 =	vld [tilespmem:$0x540]  }
0xa6: {  	v54 =	vld [tilespmem:$0x750]  }
0xa7: {  	v55 =	vld [tilespmem:$0x950]  }
0xa8: {  	v56 =	vld [tilespmem:$0x550]  }
0xa9: {  	v57 =	vld [tilespmem:$0x960]  }
0xaa: {  	v58 =	vld [tilespmem:$0x560];
	v1 =	vmul.f32 v41, v40  }
0xab: {  	v59 =	vld [tilespmem:$0x970];
	v4 =	vmul.f32 v44, v43  }
0xac: {  	v61 =	vld [tilespmem:$0x570];
	v60 =	vmul.f32 v47, v46;
	v0 =	vadd.f32 v1, v39  }
0xad: {  	v63 =	vld [tilespmem:$0x760];
	v62 =	vmul.f32 v50, v49;
	v3 =	vadd.f32 v4, v42  }
0xae: {  	v19 =	vld [tilespmem:$0x770];
	v14 =	vmul.f32 v53, v52;
	v11 =	vadd.f32 v60, v45;
	[tilespmem:$0xB00] =	vst v0  }
0xaf: {  	v21 =	vmul.f32 v56, v55;
	v20 =	vadd.f32 v62, v48;
	[tilespmem:$0xB10] =	vst v3  }
0xb0: {  	v23 =	vmul.f32 v58, v57;
	v22 =	vadd.f32 v14, v51;
	[tilespmem:$0xB20] =	vst v11  }
0xb1: {  	v25 =	vmul.f32 v61, v59;
	v24 =	vadd.f32 v21, v54;
	[tilespmem:$0xB30] =	vst v20  }
0xb2: {  	v26 =	vadd.f32 v23, v63;
	[tilespmem:$0xB40] =	vst v22  }
0xb3: {  	v27 =	vadd.f32 v25, v19;
	[tilespmem:$0xB50] =	vst v24  }
0xb4: {  	[tilespmem:$0xB60] =	vst v26  }
0xb5: {  	s13 =	rddreg [dreg:$0xa];
	[tilespmem:$0xB70] =	vst v27  }
0xb6: {  	[hbm4b:s13+s5] =	stream.linear.scatter [tilespmem:s29], [sflag:$0x3], $0x80, $0x38;
	[tilespmem:$0xC00] =	vst v63  }
0xb7: {  	_ =	swait.ge [sflag:s30], $0x80  }
0xb8: {  	[sflag:s30] =	ssyncset.done $0x0  }
0xb9: {  	[sflag:s30] =	ssyncadd.s32 $0xFFFFFF80  }
0xba: {  	_ =	swait.ge [sflag:s30], $0x80  }
0xbb: {  	[sflag:s30] =	ssyncset.done $0x0  }
0xbc: {  	[sflag:s30] =	ssyncadd.s32 $0xFFFFFF80  }
0xbd: {  	_ =	swait.ge [sflag:s30], $0x80  }
0xbe: {  	[sflag:s30] =	ssyncset.done $0x0  }
0xbf: {  	[sflag:s30] =	ssyncadd.s32 $0xFFFFFF80  }
0xc0: {  	v28 =	vld [tilespmem:$0x780]  }
0xc1: {  	v29 =	vld [tilespmem:$0x980]  }
0xc2: {  	v30 =	vld [tilespmem:$0x580]  }
0xc3: {  	v31 =	vld [tilespmem:$0x790]  }
0xc4: {  	v32 =	vld [tilespmem:$0x990]  }
0xc5: {  	v33 =	vld [tilespmem:$0x590]  }
0xc6: {  	v34 =	vld [tilespmem:$0x7A0]  }
0xc7: {  	v35 =	vld [tilespmem:$0x9A0]  }
0xc8: {  	v36 =	vld [tilespmem:$0x5A0]  }
0xc9: {  	v37 =	vld [tilespmem:$0x7B0]  }
0xca: {  	v38 =	vld [tilespmem:$0x9B0]  }
0xcb: {  	v39 =	vld [tilespmem:$0x5B0]  }
0xcc: {  	v40 =	vld [tilespmem:$0x7C0]  }
0xcd: {  	v41 =	vld [tilespmem:$0x9C0]  }
0xce: {  	v42 =	vld [tilespmem:$0x5C0]  }
0xcf: {  	v43 =	vld [tilespmem:$0x7D0]  }
0xd0: {  	v44 =	vld [tilespmem:$0x9D0]  }
0xd1: {  	v45 =	vld [tilespmem:$0x5D0]  }
0xd2: {  	v46 =	vld [tilespmem:$0x9E0]  }
0xd3: {  	v47 =	vld [tilespmem:$0x5E0];
	v1 =	vmul.f32 v30, v29  }
0xd4: {  	v48 =	vld [tilespmem:$0x9F0];
	v4 =	vmul.f32 v33, v32  }
0xd5: {  	v50 =	vld [tilespmem:$0x5F0];
	v49 =	vmul.f32 v36, v35;
	v0 =	vadd.f32 v1, v28  }
0xd6: {  	v52 =	vld [tilespmem:$0x7E0];
	v51 =	vmul.f32 v39, v38;
	v3 =	vadd.f32 v4, v31  }
0xd7: {  	v55 =	vld [tilespmem:$0x7F0];
	v54 =	vmul.f32 v42, v41;
	v53 =	vadd.f32 v49, v34;
	[tilespmem:$0xB80] =	vst v0  }
0xd8: {  	v57 =	vmul.f32 v45, v44;
	v56 =	vadd.f32 v51, v37;
	[tilespmem:$0xB90] =	vst v3  }
0xd9: {  	v59 =	vmul.f32 v47, v46;
	v58 =	vadd.f32 v54, v40;
	[tilespmem:$0xBA0] =	vst v53  }
0xda: {  	v61 =	vmul.f32 v50, v48;
	v60 =	vadd.f32 v57, v43;
	[tilespmem:$0xBB0] =	vst v56  }
0xdb: {  	v62 =	vadd.f32 v59, v52;
	[tilespmem:$0xBC0] =	vst v58  }
0xdc: {  	v63 =	vadd.f32 v61, v55;
	[tilespmem:$0xBD0] =	vst v60  }
0xdd: {  	[tilespmem:$0xBE0] =	vst v62  }
0xde: {  	s13 =	rddreg [dreg:$0xb];
	[tilespmem:$0xBF0] =	vst v63  }
0xdf: {  	[hbm4b:s13+s5] =	stream.linear.scatter [tilespmem:s31], [sflag:$0x3], $0x80, $0x38;
	[tilespmem:$0xC00] =	vst v63  }
0xe0: {  	_ =	swait.ge [sflag:s0], $0x80  }
0xe1: {  	[sflag:s0] =	ssyncset.done $0x0  }
0xe2: {  	[sflag:s0] =	ssyncadd.s32 $0xFFFFFF80  }
0xe3: {  	_ =	swait.ge [sflag:s0], $0x80  }
0xe4: {  	[sflag:s0] =	ssyncset.done $0x0  }
0xe5: {  	[sflag:s0] =	ssyncadd.s32 $0xFFFFFF80  }
0xe6: {  	p0 =	sne.s32 s7, $0x1;
	_ =	swait.ge [sflag:s0], $0x80  }
.Ltmp0:
0xe7: {  	[sflag:s0] =	ssyncset.done $0x0;
	(pc) =	sbr.rel @p0 .LBB2_1-.Ltmp0, $4  }
0xe8: {  	[sflag:s0] =	ssyncadd.s32 $0xFFFFFF80  }
0xe9: {  	_ =	swait.ge [sflag:s0], $0x80  }
0xea: {  	[sflag:s0] =	ssyncset.done $0x0  }
0xeb: {  	s7 =	sadd.s32 $0xFFFFFFFF, s7;
	[sflag:s0] =	ssyncadd.s32 $0xFFFFFF80  }
0xec: {  	_ =	sfence.sel $0x180000  }
0xed: {  	[bflag:$0x0] =	sbarrier.arrive $0xFFFF  }
0xee: {  	_ =	strace $0x90000047  }
0xef: {  	s0 =	stileid.u32;
	[bflag:$0x2] =	sbarrier.arrive $0xFFFF  }
0xf0: {  	p0 =	sne.s32 s0, $0x0;
	s0 =	rddreg [dreg:$0x6]  }
0xf1: {  	s0 =	sadd.s32 @!p0 $0x100000, s0  }
0xf2: {  	[sflag:s0] =	ssyncadd.tile.s32 @!p0 $0x1;
	_ =	shalt  }
.Lfunc_end2:
_tile_overlayer_lowered:
.L_overlay_start_2:
0xf3: {  	(tag) =	ssettag $0x2  }
0xf4: {  	s0 =	rddreg [dreg:$0x0];
	s2 =	stileid.u32  }
0xf5: {  	s1 =	rddreg [dreg:$0x1];
	p0 =	sne.s32 s2, $0x0  }
0xf6: {  	s3 =	rddreg [dreg:$0x2];
	[bflag:$0x3] =	sbarrier.arrive $0xFFFF;
	s2 =	simm.s32 @!p0 $0x1C08  }
0xf7: {  	[timem:s3], [sflag:s2] =	dma.local @!p0 [hbm:s0], s1  }
0xf8: {  	s0 =	simm.s32 @!p0 $0x8  }
0xf9: {  	_ =	swait.ge @!p0 [sflag:s0], s1  }
0xfa: {  	s1 =	ssub.s32 @!p0 $0x0, s1;
	[sflag:s0] =	ssyncset.done @!p0 $0x0  }
0xfb: {  	[sflag:s0] =	ssyncadd.s32 @!p0 s1  }
0xfc: {  	[bflag:$0x3] =	sbarrier.arrive $0xFFFF  }
0xfd: {  	_ =	shalt  }

</sc_bundles>
